<compile_context>
chip_gen: v7x
topology: tpu7x:2x2x1
jax: 0.10.2.dev20260603
libtpu: 0.0.44.dev20260713+nightly
codegen_flags: <defaults>
</compile_context>

<pallas_src>
import functools
import itertools

import jax
import jax.numpy as jnp
from jax import lax
from jax.experimental import pallas as pl
from jax.experimental.pallas import tpu as pltpu
from jax.experimental.pallas import tpu_sc as plsc

P0, P1, P2 = 73856093, 19349663, 83492791
NC, NS, L = 2, 16, 16
VD1 = 9
TR = 8192


@functools.cache
def _build(n, m, ch):
    nw = NC * NS
    sweeps = m // (TR * nw)
    assert sweeps * TR * nw == m
    totchunks = n // ch
    groups = ch // L

    def body(lat_hbm, pos_hbm, hom_hbm, out_hbm, pos_v, hom_v, accum):
        c = lax.axis_index("c")
        s = lax.axis_index("s")
        wid = s * NC + c

        def do_sweep(j, carry):
            base = (j * nw + wid) * TR
            pltpu.sync_copy(lat_hbm.at[pl.ds(base * VD1, TR * VD1)], accum)

            def do_chunk(k, carry):
                pltpu.sync_copy(pos_hbm.at[k], pos_v)
                pltpu.sync_copy(hom_hbm.at[k], hom_v)

                def do_group(g, carry):
                    col = g * L

                    def flo(f):
                        i = f.astype(jnp.int32)
                        i = jnp.where(f < i.astype(jnp.float32), i - 1, i)
                        return i, f - i.astype(jnp.float32)

                    bx, fx = flo(pos_v[0, pl.ds(col, L)])
                    by, fy = flo(pos_v[1, pl.ds(col, L)])
                    bz, fz = flo(pos_v[2, pl.ds(col, L)])
                    h0 = bx * P0 + by * P1 + bz * P2
                    basev = jnp.full((L,), base, jnp.int32)
                    corners = []
                    for ox, oy, oz in itertools.product((0, 1), repeat=3):
                        cc = (ox * P0 + oy * P1 + oz * P2) & 0xFFFFFFFF
                        cc = cc - (1 << 32) if cc >= (1 << 31) else cc
                        hc = (h0 + cc) & (m - 1)
                        loc = hc - basev
                        inp = (loc >= jnp.zeros((L,), jnp.int32)) & (
                            loc < jnp.full((L,), TR, jnp.int32)
                        )
                        corners.append((ox, oy, oz, loc, inp))
                    anyhit = (
                        corners[0][4] | corners[1][4] | corners[2][4]
                        | corners[3][4] | corners[4][4] | corners[5][4]
                        | corners[6][4] | corners[7][4]
                    )
                    nhit = plsc.all_reduce_population_count(anyhit)[0]

                    @pl.when(nhit > 0)
                    def _():
                        wx0 = 1.0 - fx
                        wy0 = 1.0 - fy
                        wz0 = 1.0 - fz
                        wxy = (wx0 * wy0, wx0 * fy, fx * wy0, fx * fy)
                        v = [hom_v[r, pl.ds(col, L)] for r in range(VD1)]
                        for ci, (ox, oy, oz, loc, inp) in enumerate(corners):
                            locs = (loc & (TR - 1)) * VD1
                            wc = wxy[ox * 2 + oy] * (fz if oz else wz0)
                            we = jnp.where(inp, wc, 0.0)
                            for r in range(VD1):
                                plsc.addupdate_scatter(
                                    accum, [locs + r], we * v[r]
                                )

                    return carry

                return lax.fori_loop(0, groups, do_group, carry)

            carry = lax.fori_loop(0, totchunks, do_chunk, carry)
            pltpu.sync_copy(accum, out_hbm.at[pl.ds(base * VD1, TR * VD1)])
            return carry

        lax.fori_loop(0, sweeps, do_sweep, 0)

    mesh = plsc.VectorSubcoreMesh(
        core_axis_name="c", subcore_axis_name="s", num_cores=NC, num_subcores=NS
    )
    return pl.kernel(
        body,
        out_type=jax.ShapeDtypeStruct((m * VD1,), jnp.float32),
        mesh=mesh,
        compiler_params=pltpu.CompilerParams(needs_layout_passes=False),
        scratch_types=[
            pltpu.VMEM((3, ch), jnp.float32),
            pltpu.VMEM((VD1, ch), jnp.float32),
            pltpu.VMEM((TR * VD1,), jnp.float32),
        ],
    )


def _run(lattice_py, positions, values, ch=1024):
    n = positions.shape[0]
    m = lattice_py.shape[0]
    totchunks = n // ch
    pos3 = positions.T.reshape(3, totchunks, ch).transpose(1, 0, 2)
    hom3 = (
        jnp.concatenate([values, jnp.ones((n, 1), values.dtype)], axis=1)
        .T.reshape(VD1, totchunks, ch)
        .transpose(1, 0, 2)
    )
    out = _build(n, m, ch)(lattice_py.reshape(-1), pos3, hom3)
    return out.reshape(m, VD1)


@jax.jit
def kernel(lattice_py, positions, values):
    return _run(lattice_py, positions, values)

# --- scband reference (transcript-rebuilt; emitter-appended) ---
"""Pipeline reference for scband-distribute-lattice-module-25400436588638 (READ-ONLY COPY).

The authoritative reference and input builder live on the scoring server;
editing this copy changes nothing except your own understanding.
"""

import jax, jax.numpy as jnp
import numpy as np
import itertools

N = 524288
POS_DIM = 3
VAL_DIM = 8
M = 1048576

_PRIMES = jnp.array([73856093, 19349663, 83492791], dtype=jnp.int32)


def setup_inputs(seed: int = 0) -> dict:
    key = jax.random.key(seed)
    k1, k2 = jax.random.split(key)
    lattice_py = jnp.zeros((M, VAL_DIM + 1), dtype=jnp.float32)
    positions = jax.random.normal(k1, (N, POS_DIM), dtype=jnp.float32)
    values = jax.random.normal(k2, (N, VAL_DIM), dtype=jnp.float32)
    return {"lattice_py": lattice_py, "positions": positions, "values": values}


def _hash(corner):
    # corner: int32[N, POS_DIM] -> int32[N] in [0, M)
    h = jnp.sum(corner * _PRIMES[None, :], axis=1)
    return jnp.mod(h, M)


def reference(lattice_py, positions, values):
    # Distribute (splat) each point's homogeneous value vector onto the
    # 2^d enclosing lattice vertices with multilinear barycentric weights,
    # accumulating into a hashed lattice memory (scatter-add).
    n = positions.shape[0]
    base = jnp.floor(positions)
    frac = positions - base  # differentiable w.r.t. positions
    basei = base.astype(jnp.int32)
    homog = jnp.concatenate([values, jnp.ones((n, 1), dtype=values.dtype)], axis=1)
    out = lattice_py
    for offset in itertools.product((0, 1), repeat=POS_DIM):
        off = jnp.array(offset, dtype=jnp.int32)
        corner = basei + off[None, :]
        offf = jnp.array(offset, dtype=frac.dtype)
        w = jnp.prod(jnp.where(offf[None, :] > 0, frac, 1.0 - frac), axis=1)
        idx = _hash(corner)
        out = out.at[idx].add(w[:, None] * homog)
    return out

if __name__ == "__main__":
    import jax
    _d = setup_inputs()
    print(jax.jit(kernel)(*tuple(_d.values())))

</pallas_src>

<mosaic_0001>
#map = affine_map<(d0, d1) -> (0)>
#map1 = affine_map<(d0, d1) -> (0, 0, 0)>
module attributes {stable_mosaic.version = 14 : i64} {
  func.func @body(%arg0: i32, %arg1: i32, %arg2: memref<9437184xf32, #tpu.memory_space<hbm>>, %arg3: memref<512x3x1024xf32, #tpu.memory_space<hbm>>, %arg4: memref<512x9x1024xf32, #tpu.memory_space<hbm>>, %arg5: memref<9437184xf32, #tpu.memory_space<hbm>>, %arg6: memref<3x1024xf32, #tpu.memory_space<vmem>>, %arg7: memref<9x1024xf32, #tpu.memory_space<vmem>>, %arg8: memref<73728xf32, #tpu.memory_space<vmem>>) attributes {dimension_semantics = [#tpu.dimension_semantics<core_parallel>, #tpu.dimension_semantics<subcore_parallel>], iteration_bounds = array<i64: 2, 16>, scalar_prefetch = 0 : i64, scratch_operands = 3 : i64, tpu.core_type = #tpu.core_type<sc_vector_subcore>, window_params = [{transform_indices = #map}, {transform_indices = #map1}, {transform_indices = #map1}, {transform_indices = #map}]} {
    %mul3A = arith.constant 2 : i32
    %mul3A_0 = arith.muli %arg1, %mul3A : i32
    %add3A = arith.addi %mul3A_0, %arg0 : i32
    %scan3A = arith.constant 0 : i32
    %scan3A_1 = arith.constant 0 : i32
    %scan3A_2 = arith.constant 4 : i32
    %scan3A_3 = arith.addi %scan3A_1, %scan3A_2 : i32
    %scan3A_4 = arith.constant 1 : i32
    scf.for %scan3A_6 = %scan3A_1 to %scan3A_3 step %scan3A_4  : i32 {
      %mul3A_7 = arith.constant 32 : i32
      %mul3A_8 = arith.muli %scan3A_6, %mul3A_7 : i32
      %add3A_9 = arith.addi %mul3A_8, %add3A : i32
      %mul3A_10 = arith.constant 8192 : i32
      %mul3A_11 = arith.muli %add3A_9, %mul3A_10 : i32
      %mul3A_12 = arith.constant 9 : i32
      %mul3A_13 = arith.muli %mul3A_11, %mul3A_12 : i32
      "tpu.region"() ({
        %run_scoped3A = tpu.sem_alloc : memref<!tpu.dma_semaphore, #tpu.memory_space<semaphore_mem>>
        %dma_start3A = tpu.memref_slice %arg2[%mul3A_13] : memref<9437184xf32, #tpu.memory_space<hbm>> -> memref<73728xf32, #tpu.memory_space<hbm>>
        %dma_start3A_21 = tpu.memref_slice %arg2[%mul3A_13] : memref<9437184xf32, #tpu.memory_space<hbm>> -> memref<73728xf32, #tpu.memory_space<hbm>>
        tpu.enqueue_dma source(%dma_start3A_21 : memref<73728xf32, #tpu.memory_space<hbm>>) target(%arg8 : memref<73728xf32, #tpu.memory_space<vmem>>) target_semaphore(%run_scoped3A : memref<!tpu.dma_semaphore, #tpu.memory_space<semaphore_mem>>)
        %dma_wait3A = tpu.memref_slice %arg2[%mul3A_13] : memref<9437184xf32, #tpu.memory_space<hbm>> -> memref<73728xf32, #tpu.memory_space<hbm>>
        %dma_wait3A_22 = tpu.memref_slice %arg2[%mul3A_13] : memref<9437184xf32, #tpu.memory_space<hbm>> -> memref<73728xf32, #tpu.memory_space<hbm>>
        tpu.wait_dma2 semaphore(%run_scoped3A : memref<!tpu.dma_semaphore, #tpu.memory_space<semaphore_mem>>) src(%dma_wait3A_22 : memref<73728xf32, #tpu.memory_space<hbm>>) dst(%arg8 : memref<73728xf32, #tpu.memory_space<vmem>>)
        tpu.yield
      }) : () -> ()
      %scan3A_14 = arith.constant 0 : i32
      %scan3A_15 = arith.constant 512 : i32
      %scan3A_16 = arith.addi %scan3A_14, %scan3A_15 : i32
      %scan3A_17 = arith.constant 1 : i32
      scf.for %scan3A_21 = %scan3A_14 to %scan3A_16 step %scan3A_17  : i32 {
        "tpu.region"() ({
          %run_scoped3A = tpu.sem_alloc : memref<!tpu.dma_semaphore, #tpu.memory_space<semaphore_mem>>
          %dma_start3A = arith.constant 0 : i32
          %dma_start3A_27 = arith.constant 0 : i32
          %dma_start3A_28 = tpu.memref_slice %arg3[%scan3A_21, %dma_start3A, %dma_start3A_27] : memref<512x3x1024xf32, #tpu.memory_space<hbm>> -> memref<1x3x1024xf32, #tpu.memory_space<hbm>>
          %dma_start3A_29 = tpu.memref_squeeze %dma_start3A_28 : memref<1x3x1024xf32, #tpu.memory_space<hbm>> -> memref<3x1024xf32, #tpu.memory_space<hbm>>
          %dma_start3A_30 = arith.constant 0 : i32
          %dma_start3A_31 = arith.constant 0 : i32
          %dma_start3A_32 = tpu.memref_slice %arg3[%scan3A_21, %dma_start3A_30, %dma_start3A_31] : memref<512x3x1024xf32, #tpu.memory_space<hbm>> -> memref<1x3x1024xf32, #tpu.memory_space<hbm>>
          %dma_start3A_33 = tpu.memref_squeeze %dma_start3A_32 : memref<1x3x1024xf32, #tpu.memory_space<hbm>> -> memref<3x1024xf32, #tpu.memory_space<hbm>>
          tpu.enqueue_dma source(%dma_start3A_33 : memref<3x1024xf32, #tpu.memory_space<hbm>>) target(%arg6 : memref<3x1024xf32, #tpu.memory_space<vmem>>) target_semaphore(%run_scoped3A : memref<!tpu.dma_semaphore, #tpu.memory_space<semaphore_mem>>)
          %dma_wait3A = arith.constant 0 : i32
          %dma_wait3A_34 = arith.constant 0 : i32
          %dma_wait3A_35 = tpu.memref_slice %arg3[%scan3A_21, %dma_wait3A, %dma_wait3A_34] : memref<512x3x1024xf32, #tpu.memory_space<hbm>> -> memref<1x3x1024xf32, #tpu.memory_space<hbm>>
          %dma_wait3A_36 = tpu.memref_squeeze %dma_wait3A_35 : memref<1x3x1024xf32, #tpu.memory_space<hbm>> -> memref<3x1024xf32, #tpu.memory_space<hbm>>
          %dma_wait3A_37 = arith.constant 0 : i32
          %dma_wait3A_38 = arith.constant 0 : i32
          %dma_wait3A_39 = tpu.memref_slice %arg3[%scan3A_21, %dma_wait3A_37, %dma_wait3A_38] : memref<512x3x1024xf32, #tpu.memory_space<hbm>> -> memref<1x3x1024xf32, #tpu.memory_space<hbm>>
          %dma_wait3A_40 = tpu.memref_squeeze %dma_wait3A_39 : memref<1x3x1024xf32, #tpu.memory_space<hbm>> -> memref<3x1024xf32, #tpu.memory_space<hbm>>
          tpu.wait_dma2 semaphore(%run_scoped3A : memref<!tpu.dma_semaphore, #tpu.memory_space<semaphore_mem>>) src(%dma_wait3A_40 : memref<3x1024xf32, #tpu.memory_space<hbm>>) dst(%arg6 : memref<3x1024xf32, #tpu.memory_space<vmem>>)
          tpu.yield
        }) : () -> ()
        "tpu.region"() ({
          %run_scoped3A = tpu.sem_alloc : memref<!tpu.dma_semaphore, #tpu.memory_space<semaphore_mem>>
          %dma_start3A = arith.constant 0 : i32
          %dma_start3A_27 = arith.constant 0 : i32
          %dma_start3A_28 = tpu.memref_slice %arg4[%scan3A_21, %dma_start3A, %dma_start3A_27] : memref<512x9x1024xf32, #tpu.memory_space<hbm>> -> memref<1x9x1024xf32, #tpu.memory_space<hbm>>
          %dma_start3A_29 = tpu.memref_squeeze %dma_start3A_28 : memref<1x9x1024xf32, #tpu.memory_space<hbm>> -> memref<9x1024xf32, #tpu.memory_space<hbm>>
          %dma_start3A_30 = arith.constant 0 : i32
          %dma_start3A_31 = arith.constant 0 : i32
          %dma_start3A_32 = tpu.memref_slice %arg4[%scan3A_21, %dma_start3A_30, %dma_start3A_31] : memref<512x9x1024xf32, #tpu.memory_space<hbm>> -> memref<1x9x1024xf32, #tpu.memory_space<hbm>>
          %dma_start3A_33 = tpu.memref_squeeze %dma_start3A_32 : memref<1x9x1024xf32, #tpu.memory_space<hbm>> -> memref<9x1024xf32, #tpu.memory_space<hbm>>
          tpu.enqueue_dma source(%dma_start3A_33 : memref<9x1024xf32, #tpu.memory_space<hbm>>) target(%arg7 : memref<9x1024xf32, #tpu.memory_space<vmem>>) target_semaphore(%run_scoped3A : memref<!tpu.dma_semaphore, #tpu.memory_space<semaphore_mem>>)
          %dma_wait3A = arith.constant 0 : i32
          %dma_wait3A_34 = arith.constant 0 : i32
          %dma_wait3A_35 = tpu.memref_slice %arg4[%scan3A_21, %dma_wait3A, %dma_wait3A_34] : memref<512x9x1024xf32, #tpu.memory_space<hbm>> -> memref<1x9x1024xf32, #tpu.memory_space<hbm>>
          %dma_wait3A_36 = tpu.memref_squeeze %dma_wait3A_35 : memref<1x9x1024xf32, #tpu.memory_space<hbm>> -> memref<9x1024xf32, #tpu.memory_space<hbm>>
          %dma_wait3A_37 = arith.constant 0 : i32
          %dma_wait3A_38 = arith.constant 0 : i32
          %dma_wait3A_39 = tpu.memref_slice %arg4[%scan3A_21, %dma_wait3A_37, %dma_wait3A_38] : memref<512x9x1024xf32, #tpu.memory_space<hbm>> -> memref<1x9x1024xf32, #tpu.memory_space<hbm>>
          %dma_wait3A_40 = tpu.memref_squeeze %dma_wait3A_39 : memref<1x9x1024xf32, #tpu.memory_space<hbm>> -> memref<9x1024xf32, #tpu.memory_space<hbm>>
          tpu.wait_dma2 semaphore(%run_scoped3A : memref<!tpu.dma_semaphore, #tpu.memory_space<semaphore_mem>>) src(%dma_wait3A_40 : memref<9x1024xf32, #tpu.memory_space<hbm>>) dst(%arg7 : memref<9x1024xf32, #tpu.memory_space<vmem>>)
          tpu.yield
        }) : () -> ()
        %scan3A_22 = arith.constant 0 : i32
        %scan3A_23 = arith.constant 64 : i32
        %scan3A_24 = arith.addi %scan3A_22, %scan3A_23 : i32
        %scan3A_25 = arith.constant 1 : i32
        scf.for %scan3A_27 = %scan3A_22 to %scan3A_24 step %scan3A_25  : i32 {
          %mul3A_28 = arith.constant 16 : i32
          %mul3A_29 = arith.muli %scan3A_27, %mul3A_28 : i32
          %get3A = arith.constant 0 : i32
          %get3A_30 = arith.index_cast %get3A : i32 to index
          %get3A_31 = arith.index_cast %mul3A_29 : i32 to index
          %get3A_32 = tpu.vector_load %arg6[%get3A_30, %get3A_31] {strides = array<i32>} : memref<3x1024xf32, #tpu.memory_space<vmem>>, vector<16xf32>,
          %convert_element_type3A = arith.fptosi %get3A_32 : vector<16xf32> to vector<16xi32>
          %convert_element_type3A_33 = arith.sitofp %convert_element_type3A : vector<16xi32> to vector<16xf32>
          %lt3A = arith.cmpf olt, %get3A_32, %convert_element_type3A_33 : vector<16xf32>
          %sub3A = arith.constant 1 : i32
          %sub3A_34 = vector.broadcast %sub3A : i32 to vector<16xi32>
          %sub3A_35 = arith.subi %convert_element_type3A, %sub3A_34 : vector<16xi32>
          %select_n3A = arith.select %lt3A, %sub3A_35, %convert_element_type3A : vector<16xi1>, vector<16xi32>
          %convert_element_type3A_36 = arith.sitofp %select_n3A : vector<16xi32> to vector<16xf32>
          %sub3A_37 = arith.subf %get3A_32, %convert_element_type3A_36 : vector<16xf32>
          %get3A_38 = arith.constant 1 : i32
          %get3A_39 = arith.index_cast %get3A_38 : i32 to index
          %get3A_40 = arith.index_cast %mul3A_29 : i32 to index
          %get3A_41 = tpu.vector_load %arg6[%get3A_39, %get3A_40] {strides = array<i32>} : memref<3x1024xf32, #tpu.memory_space<vmem>>, vector<16xf32>,
          %convert_element_type3A_42 = arith.fptosi %get3A_41 : vector<16xf32> to vector<16xi32>
          %convert_element_type3A_43 = arith.sitofp %convert_element_type3A_42 : vector<16xi32> to vector<16xf32>
          %lt3A_44 = arith.cmpf olt, %get3A_41, %convert_element_type3A_43 : vector<16xf32>
          %sub3A_45 = arith.constant 1 : i32
          %sub3A_46 = vector.broadcast %sub3A_45 : i32 to vector<16xi32>
          %sub3A_47 = arith.subi %convert_element_type3A_42, %sub3A_46 : vector<16xi32>
          %select_n3A_48 = arith.select %lt3A_44, %sub3A_47, %convert_element_type3A_42 : vector<16xi1>, vector<16xi32>
          %convert_element_type3A_49 = arith.sitofp %select_n3A_48 : vector<16xi32> to vector<16xf32>
          %sub3A_50 = arith.subf %get3A_41, %convert_element_type3A_49 : vector<16xf32>
          %get3A_51 = arith.constant 2 : i32
          %get3A_52 = arith.index_cast %get3A_51 : i32 to index
          %get3A_53 = arith.index_cast %mul3A_29 : i32 to index
          %get3A_54 = tpu.vector_load %arg6[%get3A_52, %get3A_53] {strides = array<i32>} : memref<3x1024xf32, #tpu.memory_space<vmem>>, vector<16xf32>,
          %convert_element_type3A_55 = arith.fptosi %get3A_54 : vector<16xf32> to vector<16xi32>
          %convert_element_type3A_56 = arith.sitofp %convert_element_type3A_55 : vector<16xi32> to vector<16xf32>
          %lt3A_57 = arith.cmpf olt, %get3A_54, %convert_element_type3A_56 : vector<16xf32>
          %sub3A_58 = arith.constant 1 : i32
          %sub3A_59 = vector.broadcast %sub3A_58 : i32 to vector<16xi32>
          %sub3A_60 = arith.subi %convert_element_type3A_55, %sub3A_59 : vector<16xi32>
          %select_n3A_61 = arith.select %lt3A_57, %sub3A_60, %convert_element_type3A_55 : vector<16xi1>, vector<16xi32>
          %convert_element_type3A_62 = arith.sitofp %select_n3A_61 : vector<16xi32> to vector<16xf32>
          %sub3A_63 = arith.subf %get3A_54, %convert_element_type3A_62 : vector<16xf32>
          %mul3A_64 = arith.constant 73856093 : i32
          %mul3A_65 = vector.broadcast %mul3A_64 : i32 to vector<16xi32>
          %mul3A_66 = arith.muli %select_n3A, %mul3A_65 : vector<16xi32>
          %mul3A_67 = arith.constant 19349663 : i32
          %mul3A_68 = vector.broadcast %mul3A_67 : i32 to vector<16xi32>
          %mul3A_69 = arith.muli %select_n3A_48, %mul3A_68 : vector<16xi32>
          %add3A_70 = arith.addi %mul3A_66, %mul3A_69 : vector<16xi32>
          %mul3A_71 = arith.constant 83492791 : i32
          %mul3A_72 = vector.broadcast %mul3A_71 : i32 to vector<16xi32>
          %mul3A_73 = arith.muli %select_n3A_61, %mul3A_72 : vector<16xi32>
          %add3A_74 = arith.addi %add3A_70, %mul3A_73 : vector<16xi32>
          %broadcast_in_dim3A = vector.broadcast %mul3A_11 : i32 to vector<16xi32>
          %add3A_75 = arith.constant 0 : i32
          %add3A_76 = vector.broadcast %add3A_75 : i32 to vector<16xi32>
          %add3A_77 = arith.addi %add3A_74, %add3A_76 : vector<16xi32>
          %and3A = arith.constant 1048575 : i32
          %and3A_78 = vector.broadcast %and3A : i32 to vector<16xi32>
          %and3A_79 = arith.andi %add3A_77, %and3A_78 : vector<16xi32>
          %sub3A_80 = arith.subi %and3A_79, %broadcast_in_dim3A : vector<16xi32>
          %broadcast_in_dim3A_81 = arith.constant 0 : i32
          %broadcast_in_dim3A_82 = vector.broadcast %broadcast_in_dim3A_81 : i32 to vector<16xi32>
          %ge3A = arith.cmpi sge, %sub3A_80, %broadcast_in_dim3A_82 : vector<16xi32>
          %broadcast_in_dim3A_83 = arith.constant 8192 : i32
          %broadcast_in_dim3A_84 = vector.broadcast %broadcast_in_dim3A_83 : i32 to vector<16xi32>
          %lt3A_85 = arith.cmpi slt, %sub3A_80, %broadcast_in_dim3A_84 : vector<16xi32>
          %and3A_86 = arith.andi %ge3A, %lt3A_85 : vector<16xi1>
          %add3A_87 = arith.constant 83492791 : i32
          %add3A_88 = vector.broadcast %add3A_87 : i32 to vector<16xi32>
          %add3A_89 = arith.addi %add3A_74, %add3A_88 : vector<16xi32>
          %and3A_90 = arith.constant 1048575 : i32
          %and3A_91 = vector.broadcast %and3A_90 : i32 to vector<16xi32>
          %and3A_92 = arith.andi %add3A_89, %and3A_91 : vector<16xi32>
          %sub3A_93 = arith.subi %and3A_92, %broadcast_in_dim3A : vector<16xi32>
          %broadcast_in_dim3A_94 = arith.constant 0 : i32
          %broadcast_in_dim3A_95 = vector.broadcast %broadcast_in_dim3A_94 : i32 to vector<16xi32>
          %ge3A_96 = arith.cmpi sge, %sub3A_93, %broadcast_in_dim3A_95 : vector<16xi32>
          %broadcast_in_dim3A_97 = arith.constant 8192 : i32
          %broadcast_in_dim3A_98 = vector.broadcast %broadcast_in_dim3A_97 : i32 to vector<16xi32>
          %lt3A_99 = arith.cmpi slt, %sub3A_93, %broadcast_in_dim3A_98 : vector<16xi32>
          %and3A_100 = arith.andi %ge3A_96, %lt3A_99 : vector<16xi1>
          %add3A_101 = arith.constant 19349663 : i32
          %add3A_102 = vector.broadcast %add3A_101 : i32 to vector<16xi32>
          %add3A_103 = arith.addi %add3A_74, %add3A_102 : vector<16xi32>
          %and3A_104 = arith.constant 1048575 : i32
          %and3A_105 = vector.broadcast %and3A_104 : i32 to vector<16xi32>
          %and3A_106 = arith.andi %add3A_103, %and3A_105 : vector<16xi32>
          %sub3A_107 = arith.subi %and3A_106, %broadcast_in_dim3A : vector<16xi32>
          %broadcast_in_dim3A_108 = arith.constant 0 : i32
          %broadcast_in_dim3A_109 = vector.broadcast %broadcast_in_dim3A_108 : i32 to vector<16xi32>
          %ge3A_110 = arith.cmpi sge, %sub3A_107, %broadcast_in_dim3A_109 : vector<16xi32>
          %broadcast_in_dim3A_111 = arith.constant 8192 : i32
          %broadcast_in_dim3A_112 = vector.broadcast %broadcast_in_dim3A_111 : i32 to vector<16xi32>
          %lt3A_113 = arith.cmpi slt, %sub3A_107, %broadcast_in_dim3A_112 : vector<16xi32>
          %and3A_114 = arith.andi %ge3A_110, %lt3A_113 : vector<16xi1>
          %add3A_115 = arith.constant 102842454 : i32
          %add3A_116 = vector.broadcast %add3A_115 : i32 to vector<16xi32>
          %add3A_117 = arith.addi %add3A_74, %add3A_116 : vector<16xi32>
          %and3A_118 = arith.constant 1048575 : i32
          %and3A_119 = vector.broadcast %and3A_118 : i32 to vector<16xi32>
          %and3A_120 = arith.andi %add3A_117, %and3A_119 : vector<16xi32>
          %sub3A_121 = arith.subi %and3A_120, %broadcast_in_dim3A : vector<16xi32>
          %broadcast_in_dim3A_122 = arith.constant 0 : i32
          %broadcast_in_dim3A_123 = vector.broadcast %broadcast_in_dim3A_122 : i32 to vector<16xi32>
          %ge3A_124 = arith.cmpi sge, %sub3A_121, %broadcast_in_dim3A_123 : vector<16xi32>
          %broadcast_in_dim3A_125 = arith.constant 8192 : i32
          %broadcast_in_dim3A_126 = vector.broadcast %broadcast_in_dim3A_125 : i32 to vector<16xi32>
          %lt3A_127 = arith.cmpi slt, %sub3A_121, %broadcast_in_dim3A_126 : vector<16xi32>
          %and3A_128 = arith.andi %ge3A_124, %lt3A_127 : vector<16xi1>
          %add3A_129 = arith.constant 73856093 : i32
          %add3A_130 = vector.broadcast %add3A_129 : i32 to vector<16xi32>
          %add3A_131 = arith.addi %add3A_74, %add3A_130 : vector<16xi32>
          %and3A_132 = arith.constant 1048575 : i32
          %and3A_133 = vector.broadcast %and3A_132 : i32 to vector<16xi32>
          %and3A_134 = arith.andi %add3A_131, %and3A_133 : vector<16xi32>
          %sub3A_135 = arith.subi %and3A_134, %broadcast_in_dim3A : vector<16xi32>
          %broadcast_in_dim3A_136 = arith.constant 0 : i32
          %broadcast_in_dim3A_137 = vector.broadcast %broadcast_in_dim3A_136 : i32 to vector<16xi32>
          %ge3A_138 = arith.cmpi sge, %sub3A_135, %broadcast_in_dim3A_137 : vector<16xi32>
          %broadcast_in_dim3A_139 = arith.constant 8192 : i32
          %broadcast_in_dim3A_140 = vector.broadcast %broadcast_in_dim3A_139 : i32 to vector<16xi32>
          %lt3A_141 = arith.cmpi slt, %sub3A_135, %broadcast_in_dim3A_140 : vector<16xi32>
          %and3A_142 = arith.andi %ge3A_138, %lt3A_141 : vector<16xi1>
          %add3A_143 = arith.constant 157348884 : i32
          %add3A_144 = vector.broadcast %add3A_143 : i32 to vector<16xi32>
          %add3A_145 = arith.addi %add3A_74, %add3A_144 : vector<16xi32>
          %and3A_146 = arith.constant 1048575 : i32
          %and3A_147 = vector.broadcast %and3A_146 : i32 to vector<16xi32>
          %and3A_148 = arith.andi %add3A_145, %and3A_147 : vector<16xi32>
          %sub3A_149 = arith.subi %and3A_148, %broadcast_in_dim3A : vector<16xi32>
          %broadcast_in_dim3A_150 = arith.constant 0 : i32
          %broadcast_in_dim3A_151 = vector.broadcast %broadcast_in_dim3A_150 : i32 to vector<16xi32>
          %ge3A_152 = arith.cmpi sge, %sub3A_149, %broadcast_in_dim3A_151 : vector<16xi32>
          %broadcast_in_dim3A_153 = arith.constant 8192 : i32
          %broadcast_in_dim3A_154 = vector.broadcast %broadcast_in_dim3A_153 : i32 to vector<16xi32>
          %lt3A_155 = arith.cmpi slt, %sub3A_149, %broadcast_in_dim3A_154 : vector<16xi32>
          %and3A_156 = arith.andi %ge3A_152, %lt3A_155 : vector<16xi1>
          %add3A_157 = arith.constant 93205756 : i32
          %add3A_158 = vector.broadcast %add3A_157 : i32 to vector<16xi32>
          %add3A_159 = arith.addi %add3A_74, %add3A_158 : vector<16xi32>
          %and3A_160 = arith.constant 1048575 : i32
          %and3A_161 = vector.broadcast %and3A_160 : i32 to vector<16xi32>
          %and3A_162 = arith.andi %add3A_159, %and3A_161 : vector<16xi32>
          %sub3A_163 = arith.subi %and3A_162, %broadcast_in_dim3A : vector<16xi32>
          %broadcast_in_dim3A_164 = arith.constant 0 : i32
          %broadcast_in_dim3A_165 = vector.broadcast %broadcast_in_dim3A_164 : i32 to vector<16xi32>
          %ge3A_166 = arith.cmpi sge, %sub3A_163, %broadcast_in_dim3A_165 : vector<16xi32>
          %broadcast_in_dim3A_167 = arith.constant 8192 : i32
          %broadcast_in_dim3A_168 = vector.broadcast %broadcast_in_dim3A_167 : i32 to vector<16xi32>
          %lt3A_169 = arith.cmpi slt, %sub3A_163, %broadcast_in_dim3A_168 : vector<16xi32>
          %and3A_170 = arith.andi %ge3A_166, %lt3A_169 : vector<16xi1>
          %add3A_171 = arith.constant 176698547 : i32
          %add3A_172 = vector.broadcast %add3A_171 : i32 to vector<16xi32>
          %add3A_173 = arith.addi %add3A_74, %add3A_172 : vector<16xi32>
          %and3A_174 = arith.constant 1048575 : i32
          %and3A_175 = vector.broadcast %and3A_174 : i32 to vector<16xi32>
          %and3A_176 = arith.andi %add3A_173, %and3A_175 : vector<16xi32>
          %sub3A_177 = arith.subi %and3A_176, %broadcast_in_dim3A : vector<16xi32>
          %broadcast_in_dim3A_178 = arith.constant 0 : i32
          %broadcast_in_dim3A_179 = vector.broadcast %broadcast_in_dim3A_178 : i32 to vector<16xi32>
          %ge3A_180 = arith.cmpi sge, %sub3A_177, %broadcast_in_dim3A_179 : vector<16xi32>
          %broadcast_in_dim3A_181 = arith.constant 8192 : i32
          %broadcast_in_dim3A_182 = vector.broadcast %broadcast_in_dim3A_181 : i32 to vector<16xi32>
          %lt3A_183 = arith.cmpi slt, %sub3A_177, %broadcast_in_dim3A_182 : vector<16xi32>
          %and3A_184 = arith.andi %ge3A_180, %lt3A_183 : vector<16xi1>
          %or3A = arith.ori %and3A_86, %and3A_100 : vector<16xi1>
          %or3A_185 = arith.ori %or3A, %and3A_114 : vector<16xi1>
          %or3A_186 = arith.ori %or3A_185, %and3A_128 : vector<16xi1>
          %or3A_187 = arith.ori %or3A_186, %and3A_142 : vector<16xi1>
          %or3A_188 = arith.ori %or3A_187, %and3A_156 : vector<16xi1>
          %or3A_189 = arith.ori %or3A_188, %and3A_170 : vector<16xi1>
          %or3A_190 = arith.ori %or3A_189, %and3A_184 : vector<16xi1>
          %all_reduce_population_count3A = tpu.all_reduce %or3A_190 {dim = 0 : i64, kind = #tpu.reduction_kind<sum>} : vector<16xi1> -> vector<16xi32>
          %slice3A = vector.extract_strided_slice %all_reduce_population_count3A {offsets = [0], sizes = [1], strides = [1]} : vector<16xi32> to vector<1xi32>
          %squeeze3A = vector.extract %slice3A[0] : i32 from vector<1xi32>
          %gt3A = arith.constant 0 : i32
          %gt3A_191 = arith.cmpi sgt, %squeeze3A, %gt3A : i32
          %convert_element_type3A_192 = arith.extui %gt3A_191 : i1 to i32
          %cond3A = arith.constant 0 : i32
          %cond3A_193 = arith.cmpi ne, %convert_element_type3A_192, %cond3A : i32
          scf.if %cond3A_193 {
            %sub3A_194 = arith.constant 1.000000e+00 : f32
            %sub3A_195 = vector.broadcast %sub3A_194 : f32 to vector<16xf32>
            %sub3A_196 = arith.subf %sub3A_195, %sub3A_37 : vector<16xf32>
            %sub3A_197 = arith.constant 1.000000e+00 : f32
            %sub3A_198 = vector.broadcast %sub3A_197 : f32 to vector<16xf32>
            %sub3A_199 = arith.subf %sub3A_198, %sub3A_50 : vector<16xf32>
            %sub3A_200 = arith.constant 1.000000e+00 : f32
            %sub3A_201 = vector.broadcast %sub3A_200 : f32 to vector<16xf32>
            %sub3A_202 = arith.subf %sub3A_201, %sub3A_63 : vector<16xf32>
            %mul3A_203 = arith.mulf %sub3A_196, %sub3A_199 : vector<16xf32>
            %mul3A_204 = arith.mulf %sub3A_196, %sub3A_50 : vector<16xf32>
            %mul3A_205 = arith.mulf %sub3A_37, %sub3A_199 : vector<16xf32>
            %mul3A_206 = arith.mulf %sub3A_37, %sub3A_50 : vector<16xf32>
            %get3A_207 = arith.constant 0 : i32
            %get3A_208 = arith.index_cast %get3A_207 : i32 to index
            %get3A_209 = arith.index_cast %mul3A_29 : i32 to index
            %get3A_210 = tpu.vector_load %arg7[%get3A_208, %get3A_209] {strides = array<i32>} : memref<9x1024xf32, #tpu.memory_space<vmem>>, vector<16xf32>,
            %get3A_211 = arith.constant 1 : i32
            %get3A_212 = arith.index_cast %get3A_211 : i32 to index
            %get3A_213 = arith.index_cast %mul3A_29 : i32 to index
            %get3A_214 = tpu.vector_load %arg7[%get3A_212, %get3A_213] {strides = array<i32>} : memref<9x1024xf32, #tpu.memory_space<vmem>>, vector<16xf32>,
            %get3A_215 = arith.constant 2 : i32
            %get3A_216 = arith.index_cast %get3A_215 : i32 to index
            %get3A_217 = arith.index_cast %mul3A_29 : i32 to index
            %get3A_218 = tpu.vector_load %arg7[%get3A_216, %get3A_217] {strides = array<i32>} : memref<9x1024xf32, #tpu.memory_space<vmem>>, vector<16xf32>,
            %get3A_219 = arith.constant 3 : i32
            %get3A_220 = arith.index_cast %get3A_219 : i32 to index
            %get3A_221 = arith.index_cast %mul3A_29 : i32 to index
            %get3A_222 = tpu.vector_load %arg7[%get3A_220, %get3A_221] {strides = array<i32>} : memref<9x1024xf32, #tpu.memory_space<vmem>>, vector<16xf32>,
            %get3A_223 = arith.constant 4 : i32
            %get3A_224 = arith.index_cast %get3A_223 : i32 to index
            %get3A_225 = arith.index_cast %mul3A_29 : i32 to index
            %get3A_226 = tpu.vector_load %arg7[%get3A_224, %get3A_225] {strides = array<i32>} : memref<9x1024xf32, #tpu.memory_space<vmem>>, vector<16xf32>,
            %get3A_227 = arith.constant 5 : i32
            %get3A_228 = arith.index_cast %get3A_227 : i32 to index
            %get3A_229 = arith.index_cast %mul3A_29 : i32 to index
            %get3A_230 = tpu.vector_load %arg7[%get3A_228, %get3A_229] {strides = array<i32>} : memref<9x1024xf32, #tpu.memory_space<vmem>>, vector<16xf32>,
            %get3A_231 = arith.constant 6 : i32
            %get3A_232 = arith.index_cast %get3A_231 : i32 to index
            %get3A_233 = arith.index_cast %mul3A_29 : i32 to index
            %get3A_234 = tpu.vector_load %arg7[%get3A_232, %get3A_233] {strides = array<i32>} : memref<9x1024xf32, #tpu.memory_space<vmem>>, vector<16xf32>,
            %get3A_235 = arith.constant 7 : i32
            %get3A_236 = arith.index_cast %get3A_235 : i32 to index
            %get3A_237 = arith.index_cast %mul3A_29 : i32 to index
            %get3A_238 = tpu.vector_load %arg7[%get3A_236, %get3A_237] {strides = array<i32>} : memref<9x1024xf32, #tpu.memory_space<vmem>>, vector<16xf32>,
            %get3A_239 = arith.constant 8 : i32
            %get3A_240 = arith.index_cast %get3A_239 : i32 to index
            %get3A_241 = arith.index_cast %mul3A_29 : i32 to index
            %get3A_242 = tpu.vector_load %arg7[%get3A_240, %get3A_241] {strides = array<i32>} : memref<9x1024xf32, #tpu.memory_space<vmem>>, vector<16xf32>,
            %and3A_243 = arith.constant 8191 : i32
            %and3A_244 = vector.broadcast %and3A_243 : i32 to vector<16xi32>
            %and3A_245 = arith.andi %sub3A_80, %and3A_244 : vector<16xi32>
            %mul3A_246 = arith.constant 9 : i32
            %mul3A_247 = vector.broadcast %mul3A_246 : i32 to vector<16xi32>
            %mul3A_248 = arith.muli %and3A_245, %mul3A_247 : vector<16xi32>
            %mul3A_249 = arith.mulf %mul3A_203, %sub3A_202 : vector<16xf32>
            %jit3A = arith.constant 0.000000e+00 : f32
            %broadcast_in_dim3A_250 = vector.broadcast %jit3A : f32 to vector<16xf32>
            %select_n3A_251 = arith.select %and3A_86, %mul3A_249, %broadcast_in_dim3A_250 : vector<16xi1>, vector<16xf32>
            %add3A_252 = arith.constant 0 : i32
            %add3A_253 = vector.broadcast %add3A_252 : i32 to vector<16xi32>
            %add3A_254 = arith.addi %mul3A_248, %add3A_253 : vector<16xi32>
            %mul3A_255 = arith.mulf %select_n3A_251, %get3A_210 : vector<16xf32>
            tpu.vector_store_idx %arg8[%add3A_254], %mul3A_255 {add = true} : memref<73728xf32, #tpu.memory_space<vmem>>[vector<16xi32>], vector<16xf32>,
            %add3A_256 = arith.constant 1 : i32
            %add3A_257 = vector.broadcast %add3A_256 : i32 to vector<16xi32>
            %add3A_258 = arith.addi %mul3A_248, %add3A_257 : vector<16xi32>
            %mul3A_259 = arith.mulf %select_n3A_251, %get3A_214 : vector<16xf32>
            tpu.vector_store_idx %arg8[%add3A_258], %mul3A_259 {add = true} : memref<73728xf32, #tpu.memory_space<vmem>>[vector<16xi32>], vector<16xf32>,
            %add3A_260 = arith.constant 2 : i32
            %add3A_261 = vector.broadcast %add3A_260 : i32 to vector<16xi32>
            %add3A_262 = arith.addi %mul3A_248, %add3A_261 : vector<16xi32>
            %mul3A_263 = arith.mulf %select_n3A_251, %get3A_218 : vector<16xf32>
            tpu.vector_store_idx %arg8[%add3A_262], %mul3A_263 {add = true} : memref<73728xf32, #tpu.memory_space<vmem>>[vector<16xi32>], vector<16xf32>,
            %add3A_264 = arith.constant 3 : i32
            %add3A_265 = vector.broadcast %add3A_264 : i32 to vector<16xi32>
            %add3A_266 = arith.addi %mul3A_248, %add3A_265 : vector<16xi32>
            %mul3A_267 = arith.mulf %select_n3A_251, %get3A_222 : vector<16xf32>
            tpu.vector_store_idx %arg8[%add3A_266], %mul3A_267 {add = true} : memref<73728xf32, #tpu.memory_space<vmem>>[vector<16xi32>], vector<16xf32>,
            %add3A_268 = arith.constant 4 : i32
            %add3A_269 = vector.broadcast %add3A_268 : i32 to vector<16xi32>
            %add3A_270 = arith.addi %mul3A_248, %add3A_269 : vector<16xi32>
            %mul3A_271 = arith.mulf %select_n3A_251, %get3A_226 : vector<16xf32>
            tpu.vector_store_idx %arg8[%add3A_270], %mul3A_271 {add = true} : memref<73728xf32, #tpu.memory_space<vmem>>[vector<16xi32>], vector<16xf32>,
            %add3A_272 = arith.constant 5 : i32
            %add3A_273 = vector.broadcast %add3A_272 : i32 to vector<16xi32>
            %add3A_274 = arith.addi %mul3A_248, %add3A_273 : vector<16xi32>
            %mul3A_275 = arith.mulf %select_n3A_251, %get3A_230 : vector<16xf32>
            tpu.vector_store_idx %arg8[%add3A_274], %mul3A_275 {add = true} : memref<73728xf32, #tpu.memory_space<vmem>>[vector<16xi32>], vector<16xf32>,
            %add3A_276 = arith.constant 6 : i32
            %add3A_277 = vector.broadcast %add3A_276 : i32 to vector<16xi32>
            %add3A_278 = arith.addi %mul3A_248, %add3A_277 : vector<16xi32>
            %mul3A_279 = arith.mulf %select_n3A_251, %get3A_234 : vector<16xf32>
            tpu.vector_store_idx %arg8[%add3A_278], %mul3A_279 {add = true} : memref<73728xf32, #tpu.memory_space<vmem>>[vector<16xi32>], vector<16xf32>,
            %add3A_280 = arith.constant 7 : i32
            %add3A_281 = vector.broadcast %add3A_280 : i32 to vector<16xi32>
            %add3A_282 = arith.addi %mul3A_248, %add3A_281 : vector<16xi32>
            %mul3A_283 = arith.mulf %select_n3A_251, %get3A_238 : vector<16xf32>
            tpu.vector_store_idx %arg8[%add3A_282], %mul3A_283 {add = true} : memref<73728xf32, #tpu.memory_space<vmem>>[vector<16xi32>], vector<16xf32>,
            %add3A_284 = arith.constant 8 : i32
            %add3A_285 = vector.broadcast %add3A_284 : i32 to vector<16xi32>
            %add3A_286 = arith.addi %mul3A_248, %add3A_285 : vector<16xi32>
            %mul3A_287 = arith.mulf %select_n3A_251, %get3A_242 : vector<16xf32>
            tpu.vector_store_idx %arg8[%add3A_286], %mul3A_287 {add = true} : memref<73728xf32, #tpu.memory_space<vmem>>[vector<16xi32>], vector<16xf32>,
            %and3A_288 = arith.constant 8191 : i32
            %and3A_289 = vector.broadcast %and3A_288 : i32 to vector<16xi32>
            %and3A_290 = arith.andi %sub3A_93, %and3A_289 : vector<16xi32>
            %mul3A_291 = arith.constant 9 : i32
            %mul3A_292 = vector.broadcast %mul3A_291 : i32 to vector<16xi32>
            %mul3A_293 = arith.muli %and3A_290, %mul3A_292 : vector<16xi32>
            %mul3A_294 = arith.mulf %mul3A_203, %sub3A_63 : vector<16xf32>
            %jit3A_295 = arith.constant 0.000000e+00 : f32
            %broadcast_in_dim3A_296 = vector.broadcast %jit3A_295 : f32 to vector<16xf32>
            %select_n3A_297 = arith.select %and3A_100, %mul3A_294, %broadcast_in_dim3A_296 : vector<16xi1>, vector<16xf32>
            %add3A_298 = arith.constant 0 : i32
            %add3A_299 = vector.broadcast %add3A_298 : i32 to vector<16xi32>
            %add3A_300 = arith.addi %mul3A_293, %add3A_299 : vector<16xi32>
            %mul3A_301 = arith.mulf %select_n3A_297, %get3A_210 : vector<16xf32>
            tpu.vector_store_idx %arg8[%add3A_300], %mul3A_301 {add = true} : memref<73728xf32, #tpu.memory_space<vmem>>[vector<16xi32>], vector<16xf32>,
            %add3A_302 = arith.constant 1 : i32
            %add3A_303 = vector.broadcast %add3A_302 : i32 to vector<16xi32>
            %add3A_304 = arith.addi %mul3A_293, %add3A_303 : vector<16xi32>
            %mul3A_305 = arith.mulf %select_n3A_297, %get3A_214 : vector<16xf32>
            tpu.vector_store_idx %arg8[%add3A_304], %mul3A_305 {add = true} : memref<73728xf32, #tpu.memory_space<vmem>>[vector<16xi32>], vector<16xf32>,
            %add3A_306 = arith.constant 2 : i32
            %add3A_307 = vector.broadcast %add3A_306 : i32 to vector<16xi32>
            %add3A_308 = arith.addi %mul3A_293, %add3A_307 : vector<16xi32>
            %mul3A_309 = arith.mulf %select_n3A_297, %get3A_218 : vector<16xf32>
            tpu.vector_store_idx %arg8[%add3A_308], %mul3A_309 {add = true} : memref<73728xf32, #tpu.memory_space<vmem>>[vector<16xi32>], vector<16xf32>,
            %add3A_310 = arith.constant 3 : i32
            %add3A_311 = vector.broadcast %add3A_310 : i32 to vector<16xi32>
            %add3A_312 = arith.addi %mul3A_293, %add3A_311 : vector<16xi32>
            %mul3A_313 = arith.mulf %select_n3A_297, %get3A_222 : vector<16xf32>
            tpu.vector_store_idx %arg8[%add3A_312], %mul3A_313 {add = true} : memref<73728xf32, #tpu.memory_space<vmem>>[vector<16xi32>], vector<16xf32>,
            %add3A_314 = arith.constant 4 : i32
            %add3A_315 = vector.broadcast %add3A_314 : i32 to vector<16xi32>
            %add3A_316 = arith.addi %mul3A_293, %add3A_315 : vector<16xi32>
            %mul3A_317 = arith.mulf %select_n3A_297, %get3A_226 : vector<16xf32>
            tpu.vector_store_idx %arg8[%add3A_316], %mul3A_317 {add = true} : memref<73728xf32, #tpu.memory_space<vmem>>[vector<16xi32>], vector<16xf32>,
            %add3A_318 = arith.constant 5 : i32
            %add3A_319 = vector.broadcast %add3A_318 : i32 to vector<16xi32>
            %add3A_320 = arith.addi %mul3A_293, %add3A_319 : vector<16xi32>
            %mul3A_321 = arith.mulf %select_n3A_297, %get3A_230 : vector<16xf32>
            tpu.vector_store_idx %arg8[%add3A_320], %mul3A_321 {add = true} : memref<73728xf32, #tpu.memory_space<vmem>>[vector<16xi32>], vector<16xf32>,
            %add3A_322 = arith.constant 6 : i32
            %add3A_323 = vector.broadcast %add3A_322 : i32 to vector<16xi32>
            %add3A_324 = arith.addi %mul3A_293, %add3A_323 : vector<16xi32>
            %mul3A_325 = arith.mulf %select_n3A_297, %get3A_234 : vector<16xf32>
            tpu.vector_store_idx %arg8[%add3A_324], %mul3A_325 {add = true} : memref<73728xf32, #tpu.memory_space<vmem>>[vector<16xi32>], vector<16xf32>,
            %add3A_326 = arith.constant 7 : i32
            %add3A_327 = vector.broadcast %add3A_326 : i32 to vector<16xi32>
            %add3A_328 = arith.addi %mul3A_293, %add3A_327 : vector<16xi32>
            %mul3A_329 = arith.mulf %select_n3A_297, %get3A_238 : vector<16xf32>
            tpu.vector_store_idx %arg8[%add3A_328], %mul3A_329 {add = true} : memref<73728xf32, #tpu.memory_space<vmem>>[vector<16xi32>], vector<16xf32>,
            %add3A_330 = arith.constant 8 : i32
            %add3A_331 = vector.broadcast %add3A_330 : i32 to vector<16xi32>
            %add3A_332 = arith.addi %mul3A_293, %add3A_331 : vector<16xi32>
            %mul3A_333 = arith.mulf %select_n3A_297, %get3A_242 : vector<16xf32>
            tpu.vector_store_idx %arg8[%add3A_332], %mul3A_333 {add = true} : memref<73728xf32, #tpu.memory_space<vmem>>[vector<16xi32>], vector<16xf32>,
            %and3A_334 = arith.constant 8191 : i32
            %and3A_335 = vector.broadcast %and3A_334 : i32 to vector<16xi32>
            %and3A_336 = arith.andi %sub3A_107, %and3A_335 : vector<16xi32>
            %mul3A_337 = arith.constant 9 : i32
            %mul3A_338 = vector.broadcast %mul3A_337 : i32 to vector<16xi32>
            %mul3A_339 = arith.muli %and3A_336, %mul3A_338 : vector<16xi32>
            %mul3A_340 = arith.mulf %mul3A_204, %sub3A_202 : vector<16xf32>
            %jit3A_341 = arith.constant 0.000000e+00 : f32
            %broadcast_in_dim3A_342 = vector.broadcast %jit3A_341 : f32 to vector<16xf32>
            %select_n3A_343 = arith.select %and3A_114, %mul3A_340, %broadcast_in_dim3A_342 : vector<16xi1>, vector<16xf32>
            %add3A_344 = arith.constant 0 : i32
            %add3A_345 = vector.broadcast %add3A_344 : i32 to vector<16xi32>
            %add3A_346 = arith.addi %mul3A_339, %add3A_345 : vector<16xi32>
            %mul3A_347 = arith.mulf %select_n3A_343, %get3A_210 : vector<16xf32>
            tpu.vector_store_idx %arg8[%add3A_346], %mul3A_347 {add = true} : memref<73728xf32, #tpu.memory_space<vmem>>[vector<16xi32>], vector<16xf32>,
            %add3A_348 = arith.constant 1 : i32
            %add3A_349 = vector.broadcast %add3A_348 : i32 to vector<16xi32>
            %add3A_350 = arith.addi %mul3A_339, %add3A_349 : vector<16xi32>
            %mul3A_351 = arith.mulf %select_n3A_343, %get3A_214 : vector<16xf32>
            tpu.vector_store_idx %arg8[%add3A_350], %mul3A_351 {add = true} : memref<73728xf32, #tpu.memory_space<vmem>>[vector<16xi32>], vector<16xf32>,
            %add3A_352 = arith.constant 2 : i32
            %add3A_353 = vector.broadcast %add3A_352 : i32 to vector<16xi32>
            %add3A_354 = arith.addi %mul3A_339, %add3A_353 : vector<16xi32>
            %mul3A_355 = arith.mulf %select_n3A_343, %get3A_218 : vector<16xf32>
            tpu.vector_store_idx %arg8[%add3A_354], %mul3A_355 {add = true} : memref<73728xf32, #tpu.memory_space<vmem>>[vector<16xi32>], vector<16xf32>,
            %add3A_356 = arith.constant 3 : i32
            %add3A_357 = vector.broadcast %add3A_356 : i32 to vector<16xi32>
            %add3A_358 = arith.addi %mul3A_339, %add3A_357 : vector<16xi32>
            %mul3A_359 = arith.mulf %select_n3A_343, %get3A_222 : vector<16xf32>
            tpu.vector_store_idx %arg8[%add3A_358], %mul3A_359 {add = true} : memref<73728xf32, #tpu.memory_space<vmem>>[vector<16xi32>], vector<16xf32>,
            %add3A_360 = arith.constant 4 : i32
            %add3A_361 = vector.broadcast %add3A_360 : i32 to vector<16xi32>
            %add3A_362 = arith.addi %mul3A_339, %add3A_361 : vector<16xi32>
            %mul3A_363 = arith.mulf %select_n3A_343, %get3A_226 : vector<16xf32>
            tpu.vector_store_idx %arg8[%add3A_362], %mul3A_363 {add = true} : memref<73728xf32, #tpu.memory_space<vmem>>[vector<16xi32>], vector<16xf32>,
            %add3A_364 = arith.constant 5 : i32
            %add3A_365 = vector.broadcast %add3A_364 : i32 to vector<16xi32>
            %add3A_366 = arith.addi %mul3A_339, %add3A_365 : vector<16xi32>
            %mul3A_367 = arith.mulf %select_n3A_343, %get3A_230 : vector<16xf32>
            tpu.vector_store_idx %arg8[%add3A_366], %mul3A_367 {add = true} : memref<73728xf32, #tpu.memory_space<vmem>>[vector<16xi32>], vector<16xf32>,
            %add3A_368 = arith.constant 6 : i32
            %add3A_369 = vector.broadcast %add3A_368 : i32 to vector<16xi32>
            %add3A_370 = arith.addi %mul3A_339, %add3A_369 : vector<16xi32>
            %mul3A_371 = arith.mulf %select_n3A_343, %get3A_234 : vector<16xf32>
            tpu.vector_store_idx %arg8[%add3A_370], %mul3A_371 {add = true} : memref<73728xf32, #tpu.memory_space<vmem>>[vector<16xi32>], vector<16xf32>,
            %add3A_372 = arith.constant 7 : i32
            %add3A_373 = vector.broadcast %add3A_372 : i32 to vector<16xi32>
            %add3A_374 = arith.addi %mul3A_339, %add3A_373 : vector<16xi32>
            %mul3A_375 = arith.mulf %select_n3A_343, %get3A_238 : vector<16xf32>
            tpu.vector_store_idx %arg8[%add3A_374], %mul3A_375 {add = true} : memref<73728xf32, #tpu.memory_space<vmem>>[vector<16xi32>], vector<16xf32>,
            %add3A_376 = arith.constant 8 : i32
            %add3A_377 = vector.broadcast %add3A_376 : i32 to vector<16xi32>
            %add3A_378 = arith.addi %mul3A_339, %add3A_377 : vector<16xi32>
            %mul3A_379 = arith.mulf %select_n3A_343, %get3A_242 : vector<16xf32>
            tpu.vector_store_idx %arg8[%add3A_378], %mul3A_379 {add = true} : memref<73728xf32, #tpu.memory_space<vmem>>[vector<16xi32>], vector<16xf32>,
            %and3A_380 = arith.constant 8191 : i32
            %and3A_381 = vector.broadcast %and3A_380 : i32 to vector<16xi32>
            %and3A_382 = arith.andi %sub3A_121, %and3A_381 : vector<16xi32>
            %mul3A_383 = arith.constant 9 : i32
            %mul3A_384 = vector.broadcast %mul3A_383 : i32 to vector<16xi32>
            %mul3A_385 = arith.muli %and3A_382, %mul3A_384 : vector<16xi32>
            %mul3A_386 = arith.mulf %mul3A_204, %sub3A_63 : vector<16xf32>
            %jit3A_387 = arith.constant 0.000000e+00 : f32
            %broadcast_in_dim3A_388 = vector.broadcast %jit3A_387 : f32 to vector<16xf32>
            %select_n3A_389 = arith.select %and3A_128, %mul3A_386, %broadcast_in_dim3A_388 : vector<16xi1>, vector<16xf32>
            %add3A_390 = arith.constant 0 : i32
            %add3A_391 = vector.broadcast %add3A_390 : i32 to vector<16xi32>
            %add3A_392 = arith.addi %mul3A_385, %add3A_391 : vector<16xi32>
            %mul3A_393 = arith.mulf %select_n3A_389, %get3A_210 : vector<16xf32>
            tpu.vector_store_idx %arg8[%add3A_392], %mul3A_393 {add = true} : memref<73728xf32, #tpu.memory_space<vmem>>[vector<16xi32>], vector<16xf32>,
            %add3A_394 = arith.constant 1 : i32
            %add3A_395 = vector.broadcast %add3A_394 : i32 to vector<16xi32>
            %add3A_396 = arith.addi %mul3A_385, %add3A_395 : vector<16xi32>
            %mul3A_397 = arith.mulf %select_n3A_389, %get3A_214 : vector<16xf32>
            tpu.vector_store_idx %arg8[%add3A_396], %mul3A_397 {add = true} : memref<73728xf32, #tpu.memory_space<vmem>>[vector<16xi32>], vector<16xf32>,
            %add3A_398 = arith.constant 2 : i32
            %add3A_399 = vector.broadcast %add3A_398 : i32 to vector<16xi32>
            %add3A_400 = arith.addi %mul3A_385, %add3A_399 : vector<16xi32>
            %mul3A_401 = arith.mulf %select_n3A_389, %get3A_218 : vector<16xf32>
            tpu.vector_store_idx %arg8[%add3A_400], %mul3A_401 {add = true} : memref<73728xf32, #tpu.memory_space<vmem>>[vector<16xi32>], vector<16xf32>,
            %add3A_402 = arith.constant 3 : i32
            %add3A_403 = vector.broadcast %add3A_402 : i32 to vector<16xi32>
            %add3A_404 = arith.addi %mul3A_385, %add3A_403 : vector<16xi32>
            %mul3A_405 = arith.mulf %select_n3A_389, %get3A_222 : vector<16xf32>
            tpu.vector_store_idx %arg8[%add3A_404], %mul3A_405 {add = true} : memref<73728xf32, #tpu.memory_space<vmem>>[vector<16xi32>], vector<16xf32>,
            %add3A_406 = arith.constant 4 : i32
            %add3A_407 = vector.broadcast %add3A_406 : i32 to vector<16xi32>
            %add3A_408 = arith.addi %mul3A_385, %add3A_407 : vector<16xi32>
            %mul3A_409 = arith.mulf %select_n3A_389, %get3A_226 : vector<16xf32>
            tpu.vector_store_idx %arg8[%add3A_408], %mul3A_409 {add = true} : memref<73728xf32, #tpu.memory_space<vmem>>[vector<16xi32>], vector<16xf32>,
            %add3A_410 = arith.constant 5 : i32
            %add3A_411 = vector.broadcast %add3A_410 : i32 to vector<16xi32>
            %add3A_412 = arith.addi %mul3A_385, %add3A_411 : vector<16xi32>
            %mul3A_413 = arith.mulf %select_n3A_389, %get3A_230 : vector<16xf32>
            tpu.vector_store_idx %arg8[%add3A_412], %mul3A_413 {add = true} : memref<73728xf32, #tpu.memory_space<vmem>>[vector<16xi32>], vector<16xf32>,
            %add3A_414 = arith.constant 6 : i32
            %add3A_415 = vector.broadcast %add3A_414 : i32 to vector<16xi32>
            %add3A_416 = arith.addi %mul3A_385, %add3A_415 : vector<16xi32>
            %mul3A_417 = arith.mulf %select_n3A_389, %get3A_234 : vector<16xf32>
            tpu.vector_store_idx %arg8[%add3A_416], %mul3A_417 {add = true} : memref<73728xf32, #tpu.memory_space<vmem>>[vector<16xi32>], vector<16xf32>,
            %add3A_418 = arith.constant 7 : i32
            %add3A_419 = vector.broadcast %add3A_418 : i32 to vector<16xi32>
            %add3A_420 = arith.addi %mul3A_385, %add3A_419 : vector<16xi32>
            %mul3A_421 = arith.mulf %select_n3A_389, %get3A_238 : vector<16xf32>
            tpu.vector_store_idx %arg8[%add3A_420], %mul3A_421 {add = true} : memref<73728xf32, #tpu.memory_space<vmem>>[vector<16xi32>], vector<16xf32>,
            %add3A_422 = arith.constant 8 : i32
            %add3A_423 = vector.broadcast %add3A_422 : i32 to vector<16xi32>
            %add3A_424 = arith.addi %mul3A_385, %add3A_423 : vector<16xi32>
            %mul3A_425 = arith.mulf %select_n3A_389, %get3A_242 : vector<16xf32>
            tpu.vector_store_idx %arg8[%add3A_424], %mul3A_425 {add = true} : memref<73728xf32, #tpu.memory_space<vmem>>[vector<16xi32>], vector<16xf32>,
            %and3A_426 = arith.constant 8191 : i32
            %and3A_427 = vector.broadcast %and3A_426 : i32 to vector<16xi32>
            %and3A_428 = arith.andi %sub3A_135, %and3A_427 : vector<16xi32>
            %mul3A_429 = arith.constant 9 : i32
            %mul3A_430 = vector.broadcast %mul3A_429 : i32 to vector<16xi32>
            %mul3A_431 = arith.muli %and3A_428, %mul3A_430 : vector<16xi32>
            %mul3A_432 = arith.mulf %mul3A_205, %sub3A_202 : vector<16xf32>
            %jit3A_433 = arith.constant 0.000000e+00 : f32
            %broadcast_in_dim3A_434 = vector.broadcast %jit3A_433 : f32 to vector<16xf32>
            %select_n3A_435 = arith.select %and3A_142, %mul3A_432, %broadcast_in_dim3A_434 : vector<16xi1>, vector<16xf32>
            %add3A_436 = arith.constant 0 : i32
            %add3A_437 = vector.broadcast %add3A_436 : i32 to vector<16xi32>
            %add3A_438 = arith.addi %mul3A_431, %add3A_437 : vector<16xi32>
            %mul3A_439 = arith.mulf %select_n3A_435, %get3A_210 : vector<16xf32>
            tpu.vector_store_idx %arg8[%add3A_438], %mul3A_439 {add = true} : memref<73728xf32, #tpu.memory_space<vmem>>[vector<16xi32>], vector<16xf32>,
            %add3A_440 = arith.constant 1 : i32
            %add3A_441 = vector.broadcast %add3A_440 : i32 to vector<16xi32>
            %add3A_442 = arith.addi %mul3A_431, %add3A_441 : vector<16xi32>
            %mul3A_443 = arith.mulf %select_n3A_435, %get3A_214 : vector<16xf32>
            tpu.vector_store_idx %arg8[%add3A_442], %mul3A_443 {add = true} : memref<73728xf32, #tpu.memory_space<vmem>>[vector<16xi32>], vector<16xf32>,
            %add3A_444 = arith.constant 2 : i32
            %add3A_445 = vector.broadcast %add3A_444 : i32 to vector<16xi32>
            %add3A_446 = arith.addi %mul3A_431, %add3A_445 : vector<16xi32>
            %mul3A_447 = arith.mulf %select_n3A_435, %get3A_218 : vector<16xf32>
            tpu.vector_store_idx %arg8[%add3A_446], %mul3A_447 {add = true} : memref<73728xf32, #tpu.memory_space<vmem>>[vector<16xi32>], vector<16xf32>,
            %add3A_448 = arith.constant 3 : i32
            %add3A_449 = vector.broadcast %add3A_448 : i32 to vector<16xi32>
            %add3A_450 = arith.addi %mul3A_431, %add3A_449 : vector<16xi32>
            %mul3A_451 = arith.mulf %select_n3A_435, %get3A_222 : vector<16xf32>
            tpu.vector_store_idx %arg8[%add3A_450], %mul3A_451 {add = true} : memref<73728xf32, #tpu.memory_space<vmem>>[vector<16xi32>], vector<16xf32>,
            %add3A_452 = arith.constant 4 : i32
            %add3A_453 = vector.broadcast %add3A_452 : i32 to vector<16xi32>
            %add3A_454 = arith.addi %mul3A_431, %add3A_453 : vector<16xi32>
            %mul3A_455 = arith.mulf %select_n3A_435, %get3A_226 : vector<16xf32>
            tpu.vector_store_idx %arg8[%add3A_454], %mul3A_455 {add = true} : memref<73728xf32, #tpu.memory_space<vmem>>[vector<16xi32>], vector<16xf32>,
            %add3A_456 = arith.constant 5 : i32
            %add3A_457 = vector.broadcast %add3A_456 : i32 to vector<16xi32>
            %add3A_458 = arith.addi %mul3A_431, %add3A_457 : vector<16xi32>
            %mul3A_459 = arith.mulf %select_n3A_435, %get3A_230 : vector<16xf32>
            tpu.vector_store_idx %arg8[%add3A_458], %mul3A_459 {add = true} : memref<73728xf32, #tpu.memory_space<vmem>>[vector<16xi32>], vector<16xf32>,
            %add3A_460 = arith.constant 6 : i32
            %add3A_461 = vector.broadcast %add3A_460 : i32 to vector<16xi32>
            %add3A_462 = arith.addi %mul3A_431, %add3A_461 : vector<16xi32>
            %mul3A_463 = arith.mulf %select_n3A_435, %get3A_234 : vector<16xf32>
            tpu.vector_store_idx %arg8[%add3A_462], %mul3A_463 {add = true} : memref<73728xf32, #tpu.memory_space<vmem>>[vector<16xi32>], vector<16xf32>,
            %add3A_464 = arith.constant 7 : i32
            %add3A_465 = vector.broadcast %add3A_464 : i32 to vector<16xi32>
            %add3A_466 = arith.addi %mul3A_431, %add3A_465 : vector<16xi32>
            %mul3A_467 = arith.mulf %select_n3A_435, %get3A_238 : vector<16xf32>
            tpu.vector_store_idx %arg8[%add3A_466], %mul3A_467 {add = true} : memref<73728xf32, #tpu.memory_space<vmem>>[vector<16xi32>], vector<16xf32>,
            %add3A_468 = arith.constant 8 : i32
            %add3A_469 = vector.broadcast %add3A_468 : i32 to vector<16xi32>
            %add3A_470 = arith.addi %mul3A_431, %add3A_469 : vector<16xi32>
            %mul3A_471 = arith.mulf %select_n3A_435, %get3A_242 : vector<16xf32>
            tpu.vector_store_idx %arg8[%add3A_470], %mul3A_471 {add = true} : memref<73728xf32, #tpu.memory_space<vmem>>[vector<16xi32>], vector<16xf32>,
            %and3A_472 = arith.constant 8191 : i32
            %and3A_473 = vector.broadcast %and3A_472 : i32 to vector<16xi32>
            %and3A_474 = arith.andi %sub3A_149, %and3A_473 : vector<16xi32>
            %mul3A_475 = arith.constant 9 : i32
            %mul3A_476 = vector.broadcast %mul3A_475 : i32 to vector<16xi32>
            %mul3A_477 = arith.muli %and3A_474, %mul3A_476 : vector<16xi32>
            %mul3A_478 = arith.mulf %mul3A_205, %sub3A_63 : vector<16xf32>
            %jit3A_479 = arith.constant 0.000000e+00 : f32
            %broadcast_in_dim3A_480 = vector.broadcast %jit3A_479 : f32 to vector<16xf32>
            %select_n3A_481 = arith.select %and3A_156, %mul3A_478, %broadcast_in_dim3A_480 : vector<16xi1>, vector<16xf32>
            %add3A_482 = arith.constant 0 : i32
            %add3A_483 = vector.broadcast %add3A_482 : i32 to vector<16xi32>
            %add3A_484 = arith.addi %mul3A_477, %add3A_483 : vector<16xi32>
            %mul3A_485 = arith.mulf %select_n3A_481, %get3A_210 : vector<16xf32>
            tpu.vector_store_idx %arg8[%add3A_484], %mul3A_485 {add = true} : memref<73728xf32, #tpu.memory_space<vmem>>[vector<16xi32>], vector<16xf32>,
            %add3A_486 = arith.constant 1 : i32
            %add3A_487 = vector.broadcast %add3A_486 : i32 to vector<16xi32>
            %add3A_488 = arith.addi %mul3A_477, %add3A_487 : vector<16xi32>
            %mul3A_489 = arith.mulf %select_n3A_481, %get3A_214 : vector<16xf32>
            tpu.vector_store_idx %arg8[%add3A_488], %mul3A_489 {add = true} : memref<73728xf32, #tpu.memory_space<vmem>>[vector<16xi32>], vector<16xf32>,
            %add3A_490 = arith.constant 2 : i32
            %add3A_491 = vector.broadcast %add3A_490 : i32 to vector<16xi32>
            %add3A_492 = arith.addi %mul3A_477, %add3A_491 : vector<16xi32>
            %mul3A_493 = arith.mulf %select_n3A_481, %get3A_218 : vector<16xf32>
            tpu.vector_store_idx %arg8[%add3A_492], %mul3A_493 {add = true} : memref<73728xf32, #tpu.memory_space<vmem>>[vector<16xi32>], vector<16xf32>,
            %add3A_494 = arith.constant 3 : i32
            %add3A_495 = vector.broadcast %add3A_494 : i32 to vector<16xi32>
            %add3A_496 = arith.addi %mul3A_477, %add3A_495 : vector<16xi32>
            %mul3A_497 = arith.mulf %select_n3A_481, %get3A_222 : vector<16xf32>
            tpu.vector_store_idx %arg8[%add3A_496], %mul3A_497 {add = true} : memref<73728xf32, #tpu.memory_space<vmem>>[vector<16xi32>], vector<16xf32>,
            %add3A_498 = arith.constant 4 : i32
            %add3A_499 = vector.broadcast %add3A_498 : i32 to vector<16xi32>
            %add3A_500 = arith.addi %mul3A_477, %add3A_499 : vector<16xi32>
            %mul3A_501 = arith.mulf %select_n3A_481, %get3A_226 : vector<16xf32>
            tpu.vector_store_idx %arg8[%add3A_500], %mul3A_501 {add = true} : memref<73728xf32, #tpu.memory_space<vmem>>[vector<16xi32>], vector<16xf32>,
            %add3A_502 = arith.constant 5 : i32
            %add3A_503 = vector.broadcast %add3A_502 : i32 to vector<16xi32>
            %add3A_504 = arith.addi %mul3A_477, %add3A_503 : vector<16xi32>
            %mul3A_505 = arith.mulf %select_n3A_481, %get3A_230 : vector<16xf32>
            tpu.vector_store_idx %arg8[%add3A_504], %mul3A_505 {add = true} : memref<73728xf32, #tpu.memory_space<vmem>>[vector<16xi32>], vector<16xf32>,
            %add3A_506 = arith.constant 6 : i32
            %add3A_507 = vector.broadcast %add3A_506 : i32 to vector<16xi32>
            %add3A_508 = arith.addi %mul3A_477, %add3A_507 : vector<16xi32>
            %mul3A_509 = arith.mulf %select_n3A_481, %get3A_234 : vector<16xf32>
            tpu.vector_store_idx %arg8[%add3A_508], %mul3A_509 {add = true} : memref<73728xf32, #tpu.memory_space<vmem>>[vector<16xi32>], vector<16xf32>,
            %add3A_510 = arith.constant 7 : i32
            %add3A_511 = vector.broadcast %add3A_510 : i32 to vector<16xi32>
            %add3A_512 = arith.addi %mul3A_477, %add3A_511 : vector<16xi32>
            %mul3A_513 = arith.mulf %select_n3A_481, %get3A_238 : vector<16xf32>
            tpu.vector_store_idx %arg8[%add3A_512], %mul3A_513 {add = true} : memref<73728xf32, #tpu.memory_space<vmem>>[vector<16xi32>], vector<16xf32>,
            %add3A_514 = arith.constant 8 : i32
            %add3A_515 = vector.broadcast %add3A_514 : i32 to vector<16xi32>
            %add3A_516 = arith.addi %mul3A_477, %add3A_515 : vector<16xi32>
            %mul3A_517 = arith.mulf %select_n3A_481, %get3A_242 : vector<16xf32>
            tpu.vector_store_idx %arg8[%add3A_516], %mul3A_517 {add = true} : memref<73728xf32, #tpu.memory_space<vmem>>[vector<16xi32>], vector<16xf32>,
            %and3A_518 = arith.constant 8191 : i32
            %and3A_519 = vector.broadcast %and3A_518 : i32 to vector<16xi32>
            %and3A_520 = arith.andi %sub3A_163, %and3A_519 : vector<16xi32>
            %mul3A_521 = arith.constant 9 : i32
            %mul3A_522 = vector.broadcast %mul3A_521 : i32 to vector<16xi32>
            %mul3A_523 = arith.muli %and3A_520, %mul3A_522 : vector<16xi32>
            %mul3A_524 = arith.mulf %mul3A_206, %sub3A_202 : vector<16xf32>
            %jit3A_525 = arith.constant 0.000000e+00 : f32
            %broadcast_in_dim3A_526 = vector.broadcast %jit3A_525 : f32 to vector<16xf32>
            %select_n3A_527 = arith.select %and3A_170, %mul3A_524, %broadcast_in_dim3A_526 : vector<16xi1>, vector<16xf32>
            %add3A_528 = arith.constant 0 : i32
            %add3A_529 = vector.broadcast %add3A_528 : i32 to vector<16xi32>
            %add3A_530 = arith.addi %mul3A_523, %add3A_529 : vector<16xi32>
            %mul3A_531 = arith.mulf %select_n3A_527, %get3A_210 : vector<16xf32>
            tpu.vector_store_idx %arg8[%add3A_530], %mul3A_531 {add = true} : memref<73728xf32, #tpu.memory_space<vmem>>[vector<16xi32>], vector<16xf32>,
            %add3A_532 = arith.constant 1 : i32
            %add3A_533 = vector.broadcast %add3A_532 : i32 to vector<16xi32>
            %add3A_534 = arith.addi %mul3A_523, %add3A_533 : vector<16xi32>
            %mul3A_535 = arith.mulf %select_n3A_527, %get3A_214 : vector<16xf32>
            tpu.vector_store_idx %arg8[%add3A_534], %mul3A_535 {add = true} : memref<73728xf32, #tpu.memory_space<vmem>>[vector<16xi32>], vector<16xf32>,
            %add3A_536 = arith.constant 2 : i32
            %add3A_537 = vector.broadcast %add3A_536 : i32 to vector<16xi32>
            %add3A_538 = arith.addi %mul3A_523, %add3A_537 : vector<16xi32>
            %mul3A_539 = arith.mulf %select_n3A_527, %get3A_218 : vector<16xf32>
            tpu.vector_store_idx %arg8[%add3A_538], %mul3A_539 {add = true} : memref<73728xf32, #tpu.memory_space<vmem>>[vector<16xi32>], vector<16xf32>,
            %add3A_540 = arith.constant 3 : i32
            %add3A_541 = vector.broadcast %add3A_540 : i32 to vector<16xi32>
            %add3A_542 = arith.addi %mul3A_523, %add3A_541 : vector<16xi32>
            %mul3A_543 = arith.mulf %select_n3A_527, %get3A_222 : vector<16xf32>
            tpu.vector_store_idx %arg8[%add3A_542], %mul3A_543 {add = true} : memref<73728xf32, #tpu.memory_space<vmem>>[vector<16xi32>], vector<16xf32>,
            %add3A_544 = arith.constant 4 : i32
            %add3A_545 = vector.broadcast %add3A_544 : i32 to vector<16xi32>
            %add3A_546 = arith.addi %mul3A_523, %add3A_545 : vector<16xi32>
            %mul3A_547 = arith.mulf %select_n3A_527, %get3A_226 : vector<16xf32>
            tpu.vector_store_idx %arg8[%add3A_546], %mul3A_547 {add = true} : memref<73728xf32, #tpu.memory_space<vmem>>[vector<16xi32>], vector<16xf32>,
            %add3A_548 = arith.constant 5 : i32
            %add3A_549 = vector.broadcast %add3A_548 : i32 to vector<16xi32>
            %add3A_550 = arith.addi %mul3A_523, %add3A_549 : vector<16xi32>
            %mul3A_551 = arith.mulf %select_n3A_527, %get3A_230 : vector<16xf32>
            tpu.vector_store_idx %arg8[%add3A_550], %mul3A_551 {add = true} : memref<73728xf32, #tpu.memory_space<vmem>>[vector<16xi32>], vector<16xf32>,
            %add3A_552 = arith.constant 6 : i32
            %add3A_553 = vector.broadcast %add3A_552 : i32 to vector<16xi32>
            %add3A_554 = arith.addi %mul3A_523, %add3A_553 : vector<16xi32>
            %mul3A_555 = arith.mulf %select_n3A_527, %get3A_234 : vector<16xf32>
            tpu.vector_store_idx %arg8[%add3A_554], %mul3A_555 {add = true} : memref<73728xf32, #tpu.memory_space<vmem>>[vector<16xi32>], vector<16xf32>,
            %add3A_556 = arith.constant 7 : i32
            %add3A_557 = vector.broadcast %add3A_556 : i32 to vector<16xi32>
            %add3A_558 = arith.addi %mul3A_523, %add3A_557 : vector<16xi32>
            %mul3A_559 = arith.mulf %select_n3A_527, %get3A_238 : vector<16xf32>
            tpu.vector_store_idx %arg8[%add3A_558], %mul3A_559 {add = true} : memref<73728xf32, #tpu.memory_space<vmem>>[vector<16xi32>], vector<16xf32>,
            %add3A_560 = arith.constant 8 : i32
            %add3A_561 = vector.broadcast %add3A_560 : i32 to vector<16xi32>
            %add3A_562 = arith.addi %mul3A_523, %add3A_561 : vector<16xi32>
            %mul3A_563 = arith.mulf %select_n3A_527, %get3A_242 : vector<16xf32>
            tpu.vector_store_idx %arg8[%add3A_562], %mul3A_563 {add = true} : memref<73728xf32, #tpu.memory_space<vmem>>[vector<16xi32>], vector<16xf32>,
            %and3A_564 = arith.constant 8191 : i32
            %and3A_565 = vector.broadcast %and3A_564 : i32 to vector<16xi32>
            %and3A_566 = arith.andi %sub3A_177, %and3A_565 : vector<16xi32>
            %mul3A_567 = arith.constant 9 : i32
            %mul3A_568 = vector.broadcast %mul3A_567 : i32 to vector<16xi32>
            %mul3A_569 = arith.muli %and3A_566, %mul3A_568 : vector<16xi32>
            %mul3A_570 = arith.mulf %mul3A_206, %sub3A_63 : vector<16xf32>
            %jit3A_571 = arith.constant 0.000000e+00 : f32
            %broadcast_in_dim3A_572 = vector.broadcast %jit3A_571 : f32 to vector<16xf32>
            %select_n3A_573 = arith.select %and3A_184, %mul3A_570, %broadcast_in_dim3A_572 : vector<16xi1>, vector<16xf32>
            %add3A_574 = arith.constant 0 : i32
            %add3A_575 = vector.broadcast %add3A_574 : i32 to vector<16xi32>
            %add3A_576 = arith.addi %mul3A_569, %add3A_575 : vector<16xi32>
            %mul3A_577 = arith.mulf %select_n3A_573, %get3A_210 : vector<16xf32>
            tpu.vector_store_idx %arg8[%add3A_576], %mul3A_577 {add = true} : memref<73728xf32, #tpu.memory_space<vmem>>[vector<16xi32>], vector<16xf32>,
            %add3A_578 = arith.constant 1 : i32
            %add3A_579 = vector.broadcast %add3A_578 : i32 to vector<16xi32>
            %add3A_580 = arith.addi %mul3A_569, %add3A_579 : vector<16xi32>
            %mul3A_581 = arith.mulf %select_n3A_573, %get3A_214 : vector<16xf32>
            tpu.vector_store_idx %arg8[%add3A_580], %mul3A_581 {add = true} : memref<73728xf32, #tpu.memory_space<vmem>>[vector<16xi32>], vector<16xf32>,
            %add3A_582 = arith.constant 2 : i32
            %add3A_583 = vector.broadcast %add3A_582 : i32 to vector<16xi32>
            %add3A_584 = arith.addi %mul3A_569, %add3A_583 : vector<16xi32>
            %mul3A_585 = arith.mulf %select_n3A_573, %get3A_218 : vector<16xf32>
            tpu.vector_store_idx %arg8[%add3A_584], %mul3A_585 {add = true} : memref<73728xf32, #tpu.memory_space<vmem>>[vector<16xi32>], vector<16xf32>,
            %add3A_586 = arith.constant 3 : i32
            %add3A_587 = vector.broadcast %add3A_586 : i32 to vector<16xi32>
            %add3A_588 = arith.addi %mul3A_569, %add3A_587 : vector<16xi32>
            %mul3A_589 = arith.mulf %select_n3A_573, %get3A_222 : vector<16xf32>
            tpu.vector_store_idx %arg8[%add3A_588], %mul3A_589 {add = true} : memref<73728xf32, #tpu.memory_space<vmem>>[vector<16xi32>], vector<16xf32>,
            %add3A_590 = arith.constant 4 : i32
            %add3A_591 = vector.broadcast %add3A_590 : i32 to vector<16xi32>
            %add3A_592 = arith.addi %mul3A_569, %add3A_591 : vector<16xi32>
            %mul3A_593 = arith.mulf %select_n3A_573, %get3A_226 : vector<16xf32>
            tpu.vector_store_idx %arg8[%add3A_592], %mul3A_593 {add = true} : memref<73728xf32, #tpu.memory_space<vmem>>[vector<16xi32>], vector<16xf32>,
            %add3A_594 = arith.constant 5 : i32
            %add3A_595 = vector.broadcast %add3A_594 : i32 to vector<16xi32>
            %add3A_596 = arith.addi %mul3A_569, %add3A_595 : vector<16xi32>
            %mul3A_597 = arith.mulf %select_n3A_573, %get3A_230 : vector<16xf32>
            tpu.vector_store_idx %arg8[%add3A_596], %mul3A_597 {add = true} : memref<73728xf32, #tpu.memory_space<vmem>>[vector<16xi32>], vector<16xf32>,
            %add3A_598 = arith.constant 6 : i32
            %add3A_599 = vector.broadcast %add3A_598 : i32 to vector<16xi32>
            %add3A_600 = arith.addi %mul3A_569, %add3A_599 : vector<16xi32>
            %mul3A_601 = arith.mulf %select_n3A_573, %get3A_234 : vector<16xf32>
            tpu.vector_store_idx %arg8[%add3A_600], %mul3A_601 {add = true} : memref<73728xf32, #tpu.memory_space<vmem>>[vector<16xi32>], vector<16xf32>,
            %add3A_602 = arith.constant 7 : i32
            %add3A_603 = vector.broadcast %add3A_602 : i32 to vector<16xi32>
            %add3A_604 = arith.addi %mul3A_569, %add3A_603 : vector<16xi32>
            %mul3A_605 = arith.mulf %select_n3A_573, %get3A_238 : vector<16xf32>
            tpu.vector_store_idx %arg8[%add3A_604], %mul3A_605 {add = true} : memref<73728xf32, #tpu.memory_space<vmem>>[vector<16xi32>], vector<16xf32>,
            %add3A_606 = arith.constant 8 : i32
            %add3A_607 = vector.broadcast %add3A_606 : i32 to vector<16xi32>
            %add3A_608 = arith.addi %mul3A_569, %add3A_607 : vector<16xi32>
            %mul3A_609 = arith.mulf %select_n3A_573, %get3A_242 : vector<16xf32>
            tpu.vector_store_idx %arg8[%add3A_608], %mul3A_609 {add = true} : memref<73728xf32, #tpu.memory_space<vmem>>[vector<16xi32>], vector<16xf32>,
          } else {
          }
        }
        %scan3A_26 = arith.constant 64 : i32
      }
      %scan3A_18 = arith.constant 512 : i32
      %mul3A_19 = arith.constant 9 : i32
      %mul3A_20 = arith.muli %mul3A_11, %mul3A_19 : i32
      "tpu.region"() ({
        %run_scoped3A = tpu.sem_alloc : memref<!tpu.dma_semaphore, #tpu.memory_space<semaphore_mem>>
        %dma_start3A = tpu.memref_slice %arg5[%mul3A_20] : memref<9437184xf32, #tpu.memory_space<hbm>> -> memref<73728xf32, #tpu.memory_space<hbm>>
        %dma_start3A_21 = tpu.memref_slice %arg5[%mul3A_20] : memref<9437184xf32, #tpu.memory_space<hbm>> -> memref<73728xf32, #tpu.memory_space<hbm>>
        tpu.enqueue_dma source(%arg8 : memref<73728xf32, #tpu.memory_space<vmem>>) target(%dma_start3A_21 : memref<73728xf32, #tpu.memory_space<hbm>>) target_semaphore(%run_scoped3A : memref<!tpu.dma_semaphore, #tpu.memory_space<semaphore_mem>>)
        %dma_wait3A = tpu.memref_slice %arg5[%mul3A_20] : memref<9437184xf32, #tpu.memory_space<hbm>> -> memref<73728xf32, #tpu.memory_space<hbm>>
        %dma_wait3A_22 = tpu.memref_slice %arg5[%mul3A_20] : memref<9437184xf32, #tpu.memory_space<hbm>> -> memref<73728xf32, #tpu.memory_space<hbm>>
        tpu.wait_dma2 semaphore(%run_scoped3A : memref<!tpu.dma_semaphore, #tpu.memory_space<semaphore_mem>>) src(%arg8 : memref<73728xf32, #tpu.memory_space<vmem>>) dst(%dma_wait3A_22 : memref<73728xf32, #tpu.memory_space<hbm>>)
        tpu.yield
      }) : () -> ()
    }
    %scan3A_5 = arith.constant 4 : i32
    return
  }
}

</mosaic_0001>

<sc_bundles>
// kernel: kernel.3.cloned.1.call-start
scs
__scs_entry_jumppad:
0x0: {  	(pc) =	sbr.rel $0x88, $3  }
0x1: {  	(tag) =	ssettag $0x0;
	lr =	simm.s32 $0x1  }
0x2: {  	[smem:$0x3F9E] =	sst lr;
	_ =	strace $0xD0000000  }
0x3: {  	_ = 	snop  }
0x4: {  	_ = 	snop  }
0x5: {  	_ = 	snop  }
0x6: {  	_ = 	snop  }
0x7: {  	_ = 	snop  }
__scs_overlays_trampoline_lowered:
0x8: {  	[smem:$0x3FAD] =	sst s0  }
0x9: {  	[smem:$0x3FAE] =	sst s1  }
0xa: {  	[smem:$0x3FAF] =	sst s2  }
0xb: {  	[smem:$0x3FB0] =	sst s3  }
0xc: {  	[smem:$0x3FB1] =	sst s4  }
0xd: {  	[smem:$0x3FB2] =	sst s5  }
0xe: {  	[smem:$0x3FB3] =	sst s6  }
0xf: {  	[smem:$0x3FB4] =	sst s7  }
0x10: {  	[smem:$0x3FB5] =	sst s8  }
0x11: {  	[smem:$0x3FB6] =	sst s9;
	s0 =	simm.s32 @!p0 $0x0  }
0x12: {  	s1 =	sld [smem:$0x3F9C];
	s0 =	simm.s32 @p0 $0x1  }
0x13: {  	[smem:$0x3FB7] =	sst s0;
	s0 =	simm.s32 @!p1 $0x0  }
0x14: {  	s2 =	sld [smem:$0x3F9B];
	s0 =	simm.s32 @p1 $0x1  }
0x15: {  	[smem:$0x3FB8] =	sst s0;
	s0 =	simm.s32 @!p2 $0x0  }
0x16: {  	s3 =	sld [smem:$0x3FDB];
	s0 =	simm.s32 @p2 $0x1  }
0x17: {  	s4 =	simm.s32 $0x1BF5;
	[smem:$0x3FBA] =	sst s0  }
0x18: {  	s0 =	sld [smem:$0x3F9D];
	_ =	swait.ge [sflag:s4], $0x0  }
0x19: {  	s7 =	sld [smem:$0x3F9E]  }
0x1a: {  	s8 =	sadd.s32 $0xFFFFE003, lr  }
0x1b: {  	s9 =	sadd.s32 $0xFFFFFEF7, lr;
	s5 =	simm.s32 $0xFFFFFFFF;
	p2 =	slt.u32 s8, $0xFFFFF086  }
0x1c: {  	p1 =	slt.u32 s9, $0xF7A;
	s5 =	simm.s32 @!p2 $0x0  }
0x1d: {  	s5 =	simm.s32 @p1 $0x1;
	p0 =	seq.s32 s7, s2  }
0x1e: {  	s7 =	smul.u32 @!p0 $0xF7A, s2;
	p2 =	seq.s32 @!p0 s5, $0x0  }
0x1f: {  	s9 =	smul.u32 $0xF7A, s1;
	s8 =	simm.s32 @!p0 $0x1BF5;
	p2 =	por !p2, p0  }
0x20: {  	[sflag:s8] =	ssyncset.s32 @!p0 $0xFFFFF086;
	s6 =	sadd.s32 @!p0 s3, s7;
	s7 =	simm.s32 @!p0 $0x108  }
0x21: {  	s3 =	sadd.s32 s3, s9;
	s6 =	sadd.s32 @!p0 $0x88, s6;
	s7 =	simm.s32 @p2 $0x1082  }
0x22: {  	[simem:s7], [sflag:s8] =	dma.local @!p0 [hbm:s6], $0xF7A  }
0x23: {  	s9 =	sor.u32 $0xD0000000, s2;
	s6 =	simm.s32 $0x108;
	_ =	swait.ge @!p0 [sflag:s8], $0x0  }
0x24: {  	s3 =	sadd.s32 $0x88, s3;
	s6 =	simm.s32 @!p1 $0x1082;
	[sflag:s4] =	ssyncset.s32 $0xFFFFF086  }
0x25: {  	[simem:s6], [sflag:s4] =	dma.local [hbm:s3], $0xF7A  }
0x26: {  	[smem:$0x3F9E] =	sst s1;
	(tag) =	ssettag s2;
	_ =	strace s9  }
0x27: {  	s1 =	sld [smem:$0x3FAE]  }
0x28: {  	s2 =	sld [smem:$0x3FAF]  }
0x29: {  	s4 =	sld [smem:$0x3FB1]  }
0x2a: {  	p0 =	seq.s32 s5, $0x0;
	s5 =	sld [smem:$0x3FB2]  }
0x2b: {  	s6 =	sld [smem:$0x3FB3]  }
0x2c: {  	s7 =	sld [smem:$0x3FB4]  }
0x2d: {  	s3 =	simm.s32 $0x108;
	s8 =	sld [smem:$0x3FB5]  }
0x2e: {  	s3 =	simm.s32 @!p0 $0x1082;
	s9 =	sld [smem:$0x3FB6]  }
0x2f: {  	lr =	sadd.s32 s0, s3;
	s0 =	sld [smem:$0x3FAD]  }
0x30: {  	s3 =	sld [smem:$0x3FB0]  }
0x31: {  	[smem:$0x3FB9] =	sst s10  }
0x32: {  	s10 =	sld [smem:$0x3FB7];
	_ =	sdelay $0x3  }
0x33: {  	p0 =	seq.s32 s10, $0x1;
	s10 =	sld [smem:$0x3FB9];
	_ =	sdelay $0x3  }
0x34: {  	[smem:$0x3FB9] =	sst s10  }
0x35: {  	s10 =	sld [smem:$0x3FB8];
	_ =	sdelay $0x3  }
0x36: {  	p1 =	seq.s32 s10, $0x1;
	s10 =	sld [smem:$0x3FB9];
	_ =	sdelay $0x3  }
0x37: {  	[smem:$0x3FB9] =	sst s10  }
0x38: {  	s10 =	sld [smem:$0x3FBA]  }
0x39: {  	_ = 	snop;
	(pc) =	sbr.ind lr, $3  }
0x3a: {  	_ = 	snop  }
0x3b: {  	_ = 	snop  }
0x3c: {  	p2 =	seq.s32 s10, $0x1;
	s10 =	sld [smem:$0x3FB9]  }
0x3d: {  	_ =	shalt  }
0x3e: {  	_ =	shalt  }
0x3f: {  	_ =	shalt  }
0x40: {  	_ =	shalt  }
0x41: {  	_ =	shalt  }
0x42: {  	_ =	shalt  }
0x43: {  	_ =	shalt  }
0x44: {  	_ =	shalt  }
0x45: {  	_ =	shalt  }
0x46: {  	_ =	shalt  }
0x47: {  	_ =	shalt  }
0x48: {  	_ =	shalt  }
0x49: {  	_ =	shalt  }
0x4a: {  	_ =	shalt  }
0x4b: {  	_ =	shalt  }
0x4c: {  	_ =	shalt  }
0x4d: {  	_ =	shalt  }
0x4e: {  	_ =	shalt  }
0x4f: {  	_ =	shalt  }
0x50: {  	_ =	shalt  }
0x51: {  	_ =	shalt  }
0x52: {  	_ =	shalt  }
0x53: {  	_ =	shalt  }
0x54: {  	_ =	shalt  }
0x55: {  	_ =	shalt  }
0x56: {  	_ =	shalt  }
0x57: {  	_ =	shalt  }
0x58: {  	_ =	shalt  }
0x59: {  	_ =	shalt  }
0x5a: {  	_ =	shalt  }
0x5b: {  	_ =	shalt  }
0x5c: {  	_ =	shalt  }
0x5d: {  	_ =	shalt  }
0x5e: {  	_ =	shalt  }
0x5f: {  	_ =	shalt  }
0x60: {  	_ =	shalt  }
0x61: {  	_ =	shalt  }
0x62: {  	_ =	shalt  }
0x63: {  	_ =	shalt  }
0x64: {  	_ =	shalt  }
0x65: {  	_ =	shalt  }
0x66: {  	_ =	shalt  }
0x67: {  	_ =	shalt  }
0x68: {  	_ =	shalt  }
0x69: {  	_ =	shalt  }
0x6a: {  	_ =	shalt  }
0x6b: {  	_ =	shalt  }
0x6c: {  	_ =	shalt  }
0x6d: {  	_ =	shalt  }
0x6e: {  	_ =	shalt  }
0x6f: {  	_ =	shalt  }
0x70: {  	_ =	shalt  }
0x71: {  	_ =	shalt  }
0x72: {  	_ =	shalt  }
0x73: {  	_ =	shalt  }
0x74: {  	_ =	shalt  }
0x75: {  	_ =	shalt  }
0x76: {  	_ =	shalt  }
0x77: {  	_ =	shalt  }
0x78: {  	_ =	shalt  }
0x79: {  	_ =	shalt  }
0x7a: {  	_ =	shalt  }
0x7b: {  	_ =	shalt  }
0x7c: {  	_ =	shalt  }
0x7d: {  	_ =	shalt  }
0x7e: {  	_ =	shalt  }
0x7f: {  	_ =	shalt  }
0x80: {  	_ =	shalt  }
0x81: {  	_ =	shalt  }
0x82: {  	_ =	shalt  }
0x83: {  	_ =	shalt  }
0x84: {  	_ =	shalt  }
0x85: {  	_ =	shalt  }
0x86: {  	_ =	shalt  }
0x87: {  	_ =	shalt  }
.Lfunc_end0:
.L_simem_size_0:
called_computation.2_lowered:
.L_overlay_start_0:
0x88: {  	s2 =	sld [smem:$0x3FD9]  }
0x89: {  	s3 =	sld [smem:$0x3FFE];
	_ =	sdelay $0x1  }
0x8a: {  	s1 =	srdreg.scid  }
0x8b: {  	s0 =	sand.u32 $0x1, s1  }
0x8c: {  	s17 =	sshll.u32 s0, $0xA;
	s2 =	sadd.s32 s3, s2  }
0x8d: {  	s2 =	sadd.s32 s2, s17  }
0x8e: {  	[smem:$0x3FC5] =	sst s2  }
0x8f: {  	_ = 	snop  }
0x90: {  	s2 =	sld [smem:$0x3FC8]  }
0x91: {  	s18 =	sld [smem:$0x3FD0];
	(tm) =	ssettm $0x1  }
0x92: {  	s4 =	sld [smem:$0x3FFB];
	_ =	sdelay $0x3  }
0x93: {  	_ =	strace s4  }
0x94: {  	s4 =	sld [smem:$0x3FFC];
	_ =	sdelay $0x3  }
0x95: {  	_ =	strace s4  }
0x96: {  	s4 =	sld [smem:$0x3FFD];
	_ =	sdelay $0x3  }
0x97: {  	_ =	strace s4  }
0x98: {  	_ =	strace $0x8FFFFFFF  }
0x99: {  	s19 =	sld [smem:$0x3FDB];
	_ =	sdelay $0x1  }
0x9a: {  	s5 =	simm.s32 $_scs_section_size  }
0x9b: {  	s6 =	simm.s32 $_size__tile_overlayer_lowered;
	s7 =	simm.s32 $_tile_overlayer_lowered  }
0x9c: {  	s22 =	simm.s32 $0x1BFF;
	s21 =	sshll.u32 s7, $0x1;
	s4 =	sadd.s32 s5, s19  }
0x9d: {  	s8 =	simm.s32 $0x0;
	s20 =	sshll.u32 s6, $0x1;
	s6 =	sadd.s32 s21, s4  }
0x9e: {  	[timem:s8], [sflag:s22] =	dma.local [hbm:s6], s20  }
0x9f: {  	_ =	swait.ge [sflag:s22], s20  }
0xa0: {  	s5 =	ssub.s32 $0x0, s20;
	[sflag:s22] =	ssyncset.done $0x0  }
0xa1: {  	[sflag:s22] =	ssyncadd.s32 s5;
	_ =	sdelay $0x1  }
0xa2: {  	s23 =	simm.s32 $0x1B8B  }
0xa3: {  	_ =	swait.ge [sflag:s23], $0x1  }
0xa4: {  	[sflag:s23] =	ssyncset.done $0x0  }
0xa5: {  	s25 =	simm.s32 $0x1B8E;
	s24 =	sld [smem:$0x3FFE];
	[sflag:s23] =	ssyncadd.s32 $0xFFFFFFFF  }
0xa6: {  	s26 =	simm.s32 $execute0_lowered;
	[smem:$0x3FD2] =	sst s25  }
0xa7: {  	s6 =	sshll.u32 s26, $0x1;
	_ =	strace $0x80000049;
	[dreg:$0x1] =	wrdreg $0xFFFFFFFF  }
0xa8: {  	s28 =	simm.s32 $_size_execute0_lowered;
	s4 =	sadd.s32 s4, s6;
	[dreg:$0x0] =	wrdreg $0x0  }
0xa9: {  	s6 =	sshll.u32 s28, $0x1;
	[dreg:$0x2] =	wrdreg s4  }
0xaa: {  	[dreg:$0x3] =	wrdreg s6  }
0xab: {  	[dreg:$0x4] =	wrdreg $0xC0  }
0xac: {  	_ =	task [dreg:s8], $0x5FFFF  }
0xad: {  	[dreg:$0x1] =	wrdreg $0xFFFFFFFF  }
0xae: {  	[dreg:$0x0] =	wrdreg $0x60  }
0xaf: {  	[dreg:$0x2] =	wrdreg s18  }
0xb0: {  	[dreg:$0x3] =	wrdreg s2  }
0xb1: {  	[dreg:$0x4] =	wrdreg s24  }
0xb2: {  	[dreg:$0x5] =	wrdreg $0x9  }
0xb3: {  	_ =	task.clear_ibuf [dreg:s8], $0x6FFFF;
	_ =	strace $0x90000049  }
0xb4: {  	s29 =	simm.s32 $0x9;
	_ =	strace $0x8000004B  }
0xb5: {  	_ =	swait.ge [sflag:s29], $0x1  }
0xb6: {  	[sflag:s29] =	ssyncadd.s32 $0xFFFFFFFF  }
0xb7: {  	_ =	strace $0x9000004B  }
0xb8: {  	_ =	sfence  }
0xb9: {  	s30 =	sld [smem:$0x0];
	_ =	sdelay $0x2  }
0xba: {  	s31 =	sshll.u32 s1, $0xD;
	s1 =	sshrl.u32 s1, $0x2  }
0xbb: {  	s3 =	sand.u32 $0x4000, s31;
	s1 =	sadd.s32 s1, s30  }
0xbc: {  	s0 =	sor.u32 s3, s0;
	s1 =	sshll.u32 s1, $0x11  }
0xbd: {  	s0 =	sor.u32 s1, s0  }
0xbe: {  	s0 =	sadd.s32 $0x8F2B, s0  }
0xbf: {  	[sflag:s0] =	ssyncadd.remote.s32 $0x1  }
0xc0: {  	_ =	sfence.sel $0xFFFF  }
0xc1: {  	[dreg:$0x0] =	wrdreg $0xFFFFFFFF;
	(pc) =	sbr.abs _section_cstart, $3  }
0xc2: {  	[dreg:$0x1] =	wrdreg $0xFFFFFFFF  }
0xc3: {  	_ =	task.clear_ibuf [dreg:s8], $0x2FFFF;
	_ =	strace $0x9FFFFFFF  }
0xc4: {  	(tm) =	ssettm $0x7FFFFFFF  }
0xc5: {  	_ =	shalt  }
tec
execute0_lowered:
.L_overlay_start_1:
0x0: {  	(tag) =	ssettag $0x1  }
0x1: {  	s1 =	rddreg [dreg:$0x0]  }
0x2: {  	s2 =	rddreg [dreg:$0x1]  }
0x3: {  	s5 =	rddreg [dreg:$0x2]  }
0x4: {  	s4 =	srdreg.scid;
	s0 =	rddreg [dreg:$0x3]  }
0x5: {  	s3 =	simm.s32 $0x0;
	s10 =	simm.s32 $0x5000;
	s11 =	simm.s32 $0x1  }
.Ltmp0:
0x6: {  	s12 =	simm.s32 $0x1000;
	s4 =	sand.u32 $0x1, s4;
	(pc) =	sbr.rel .LBB2_1-.Ltmp0, $4  }
0x7: {  	s13 =	simm.s32 $0x0;
	s16 =	simm.s32 $0x0;
	s8 =	ssub.s32 $0x2, s4  }
0x8: {  	[smem:$0x7FF] =	sst s3;
	s6 =	sadd.s32 $0xC00, s5;
	s9 =	sshrl.u32 s8, $0x1  }
0x9: {  	s7 =	sadd.s32 $0x100C00, s5;
	s5 =	stileid.u32;
	s9 =	ssub.s32 s8, s9  }
0xa: {  	v0 =	vimm.s32 $0x0;
	_ =	strace $0x8000004A;
	s8 =	sshll.u32 s5, $0x1;
	s9 =	smax.u32 s9, $0x1  }
.LBB2_9:
0xb: {  	s13 =	sadd.s32 $0x1, s13  }
0xc: {  	p0 =	sne.s32 s13, s9  }
.Ltmp1:
0xd: {  	_ = 	snop;
	(pc) =	sbr.rel @!p0 .LBB2_10-.Ltmp1, $1  }
0xe: {  	_ =	sdelay $0x3  }
.LBB2_1:
.Ltmp2:
0xf: {  	(pc) =	sbr.rel .LBB2_2-.Ltmp2, $2  }
0x10: {  	_ =	sdelay $0x2  }
0x11: {  	s14 =	simm.s32 $0x0  }
.LBB2_8:
0x12: {  	s14 =	sadd.s32 $0x1, s14  }
0x13: {  	p0 =	sne.s32 s14, $0x4  }
.Ltmp3:
0x14: {  	s15 =	sadd.s32 s7, s15;
	(pc) =	sbr.rel @!p0 .LBB2_9-.Ltmp3, $4  }
0x15: {  	[hbm4b:s15+s3] =	stream.linear.scatter [tilespmem:s10], [sflag:$0x1], $0x12000, $0x38;
	[tilespmem:$0x17000] =	vst v63  }
0x16: {  	_ =	swait.ge [sflag:s11], $0x12000  }
0x17: {  	[sflag:s11] =	ssyncset.done $0x0  }
0x18: {  	[sflag:s11] =	ssyncadd.s32 $0xFFFEE000  }
.LBB2_2:
0x19: {  	s15 =	sshll.u32 s14, $0x5  }
0x1a: {  	s15 =	sor.u32 s15, s8  }
0x1b: {  	s17 =	sor.u32 s4, s15  }
0x1c: {  	s15 =	smul.u32 $0x2400, s17;
	_ =	sdelay $0x1  }
.Ltmp4:
0x1d: {  	s18 =	sadd.s32 s1, s15;
	(pc) =	sbr.rel .LBB2_3-.Ltmp4, $4  }
0x1e: {  	[tilespmem:s10], [sflag:$0x1] =	stream.linear.gather [hbm4b:s18+s16], $0x12000, $0x38;
	[tilespmem:$0x17000] =	vst v63  }
0x1f: {  	_ =	swait.ge [sflag:s11], $0x12000  }
0x20: {  	s17 =	sshll.u32 s17, $0xD;
	[sflag:s11] =	ssyncset.done $0x0  }
0x21: {  	v1 =	vmov s17;
	s17 =	simm.s32 $0x0;
	[sflag:s11] =	ssyncadd.s32 $0xFFFEE000  }
.LBB2_7:
0x22: {  	s17 =	sadd.s32 $0x1, s17  }
0x23: {  	p0 =	sne.s32 s17, $0x200  }
.Ltmp5:
0x24: {  	_ = 	snop;
	(pc) =	sbr.rel @!p0 .LBB2_8-.Ltmp5, $1  }
0x25: {  	_ =	sdelay $0x3  }
.LBB2_3:
0x26: {  	s18 =	sshll.u32 s17, $0x9  }
0x27: {  	s18 =	sadd.s32 s2, s18  }
0x28: {  	[tilespmem:s16], [sflag:$0x1] =	stream.linear.gather [hbm4b:s18+s16], $0x1000, $0x38;
	[tilespmem:$0x17000] =	vst v63  }
0x29: {  	_ =	swait.ge [sflag:s11], $0x1000  }
0x2a: {  	s31 =	sshll.u32 s17, $0xB;
	[sflag:s11] =	ssyncset.done $0x0  }
.Ltmp6:
0x2b: {  	s18 =	sadd.s32 s6, s31;
	[sflag:s11] =	ssyncadd.s32 $0xFFFFF000;
	(pc) =	sbr.rel .LBB2_4-.Ltmp6, $4  }
0x2c: {  	[tilespmem:s12], [sflag:$0x1] =	stream.linear.gather [hbm4b:s18+s16], $0x4000, $0x38;
	[tilespmem:$0x17000] =	vst v63  }
0x2d: {  	_ =	swait.ge [sflag:s11], $0x4000  }
0x2e: {  	[sflag:s11] =	ssyncset.done $0x0  }
0x2f: {  	s19 =	simm.s32 $0x0;
	s18 =	simm.s32 $0x0;
	[sflag:s11] =	ssyncadd.s32 $0xFFFFC000  }
.LBB2_6:
0x30: {  	s19 =	sadd.s32 $0x1, s19  }
0x31: {  	p0 =	sne.s32 s19, $0x40  }
.Ltmp7:
0x32: {  	_ = 	snop;
	(pc) =	sbr.rel @!p0 .LBB2_7-.Ltmp7, $2  }
0x33: {  	_ =	sdelay $0x2  }
0x34: {  	s18 =	sadd.s32 $0x10, s18  }
.LBB2_4:
0x35: {  	s21 =	sshll.u32 s19, $0x6  }
0x36: {  	s20 =	sand.u32 $0x70, s18;
	s21 =	sand.u32 $0x3FFFFE00, s21  }
0x37: {  	s21 =	sor.u32 s20, s21  }
0x38: {  	v3 =	vld [tilespmem:s21+$0x0]  }
0x39: {  	v5 =	vld [tilespmem:s21+$0x80];
	_ =	sdelay $0x1  }
0x3a: {  	v4 =	vld [tilespmem:s21+$0x100];
	_ =	sdelay $0x2  }
0x3b: {  	v2 =	vtrunc.f32 v3;
	v7 =	vtrunc.f32 v5  }
0x3c: {  	vm0 =	vlt.f32 v3, v2;
	v2 =	vcvt.f32.s32 v2;
	v8 =	vcvt.f32.s32 v7  }
0x3d: {  	v6 =	vsel vm0, $0xFFFFFFFF, v0;
	vm0 =	vlt.f32 v5, v7;
	v7 =	vtrunc.f32 v4  }
0x3e: {  	v9 =	vsel vm0, $0xFFFFFFFF, v0;
	v10 =	vcvt.f32.s32 v7;
	vm0 =	vlt.f32 v4, v7  }
0x3f: {  	v7 =	vadd.s32 v2, v6;
	v8 =	vadd.s32 v8, v9;
	v2 =	vsel vm0, $0xFFFFFFFF, v0  }
0x40: {  	v9 =	vadd.s32 v10, v2;
	v2 =	vmul.u32 $0x466F45D, v7;
	v6 =	vmul.u32 $0x127409F, v8  }
0x41: {  	v10 =	vmul.u32 $0x4F9FFB7, v9  }
0x42: {  	v2 =	vadd.s32 v2, v6  }
0x43: {  	v6 =	vadd.s32 v10, v2  }
0x44: {  	v2 =	vand.u32 $0xFE000, v6;
	v21 =	vadd.s32 $0x9FFB7, v6;
	v20 =	vadd.s32 $0x7409F, v6  }
0x45: {  	v19 =	vadd.s32 $0x14056, v6;
	v18 =	vadd.s32 $0x6F45D, v6;
	v14 =	vadd.s32 $0xF414, v6  }
0x46: {  	v13 =	vadd.s32 $0xE34FC, v6;
	vm7 =	veq.s32 v2, v1;
	v2 =	vand.u32 $0xFE000, v21  }
0x47: {  	v10 =	vand.u32 $0xFE000, v19;
	vm6 =	veq.s32 v2, v1;
	v2 =	vand.u32 $0xFE000, v20  }
0x48: {  	vm4 =	veq.s32 v10, v1;
	vm5 =	veq.s32 v2, v1;
	vm0 =	vmor vm7, vm6  }
0x49: {  	v10 =	vand.u32 $0xFE000, v13;
	v2 =	vand.u32 $0xFE000, v18;
	vm0 =	vmor vm5, vm0  }
0x4a: {  	vm3 =	veq.s32 v2, v1;
	v2 =	vand.u32 $0xFE000, v14;
	vm0 =	vmor vm4, vm0  }
0x4b: {  	vm2 =	veq.s32 v2, v1;
	v2 =	vadd.s32 $0x834B3, v6;
	vm0 =	vmor vm3, vm0  }
0x4c: {  	vm1 =	veq.s32 v10, v1;
	v10 =	vand.u32 $0xFE000, v2;
	vm8 =	vmor vm2, vm0  }
0x4d: {  	vm0 =	veq.s32 v10, v1;
	vm8 =	vmor vm1, vm8  }
0x4e: {  	vm8 =	vmor vm0, vm8  }
0x4f: {  	v10 =	vmpcnt.ones.xlane vm8;
	_ =	sdelay $0x1  }
0x50: {  	(v2sf) =	vpush v10, $0x0;
	_ =	sdelay $0xe  }
0x51: {  	s31 =	spop (v2sf)  }
0x52: {  	p0 =	slt.s32 s31, $0x1  }
.Ltmp8:
0x53: {  	_ = 	snop;
	(pc) =	sbr.rel @p0 .LBB2_6-.Ltmp8, $1  }
0x54: {  	_ =	sdelay $0x3  }
0x55: {  	s21 =	sshrl.u32 s19, $0x3;
	v8 =	vcvt.s32.f32 v8;
	v7 =	vcvt.s32.f32 v7  }
0x56: {  	v9 =	vcvt.s32.f32 v9;
	s21 =	sshll.u32 s21, $0xA  }
0x57: {  	v16 =	vsub.f32 v5, v8;
	v17 =	vsub.f32 v3, v7;
	s21 =	sand.u32 $0x3FFFFC00, s21  }
0x58: {  	v12 =	vsub.f32 v4, v9;
	s20 =	sor.u32 s20, s21  }
0x59: {  	v22 =	vsub.f32 $1.000000000e+00, v17;
	v23 =	vsub.f32 $1.000000000e+00, v16;
	v11 =	vld [tilespmem:s20+$0x1000]  }
0x5a: {  	v9 =	vld [tilespmem:s20+$0x1080]  }
0x5b: {  	v3 =	vand.u32 $0x1FFF, v6;
	v15 =	vsub.f32 $1.000000000e+00, v12;
	v10 =	vld [tilespmem:s20+$0x1100];
	v24 =	vmul.f32 v23, v22  }
0x5c: {  	v25 =	vmul.u32 $0x9, v3;
	v8 =	vld [tilespmem:s20+$0x1180]  }
0x5d: {  	v6 =	vld [tilespmem:s20+$0x1200];
	v47 =	vmul.f32 v15, v24  }
0x5e: {  	v4 =	vld [tilespmem:s20+$0x1280];
	v26 =	vadd.s32 $0x1, v25  }
0x5f: {  	v3 =	vld [tilespmem:s20+$0x1300];
	v28 =	vadd.s32 $0x2, v25;
	v27 =	vnsel vm7, $0x0, v47  }
0x60: {  	v5 =	vld [tilespmem:s20+$0x1380];
	v30 =	vadd.s32 $0x3, v25;
	v29 =	vmul.f32 v11, v27  }
0x61: {  	v7 =	vld [tilespmem:s20+$0x3000];
	v32 =	vadd.s32 $0x4, v25;
	v31 =	vmul.f32 v9, v27  }
0x62: {  	v33 =	vadd.s32 $0x5, v25;
	v48 =	vmul.f32 v10, v27;
	[tilespmem:v25+s10+$0x0] =	vst.idx.add.f32.msk $0xffff, v29  }
0x63: {  	v50 =	vadd.s32 $0x6, v25;
	v49 =	vmul.f32 v8, v27;
	[tilespmem:v26+s10+$0x0] =	vst.idx.add.f32.msk $0xffff, v31  }
0x64: {  	v21 =	vand.u32 $0x1FFF, v21;
	v52 =	vadd.s32 $0x7, v25;
	v51 =	vmul.f32 v6, v27;
	[tilespmem:v28+s10+$0x0] =	vst.idx.add.f32.msk $0xffff, v48  }
0x65: {  	v21 =	vmul.u32 $0x9, v21;
	v53 =	vmul.f32 v4, v27;
	v25 =	vadd.s32 $0x8, v25;
	[tilespmem:v30+s10+$0x0] =	vst.idx.add.f32.msk $0xffff, v49  }
0x66: {  	v24 =	vmul.f32 v24, v12;
	v54 =	vmul.f32 v3, v27;
	[tilespmem:v32+s10+$0x0] =	vst.idx.add.f32.msk $0xffff, v51  }
0x67: {  	v56 =	vadd.s32 $0x1, v21;
	v55 =	vmul.f32 v5, v27;
	[tilespmem:v33+s10+$0x0] =	vst.idx.add.f32.msk $0xffff, v53  }
0x68: {  	v57 =	vadd.s32 $0x2, v21;
	v24 =	vnsel vm6, $0x0, v24;
	v27 =	vmul.f32 v7, v27;
	[tilespmem:v50+s10+$0x0] =	vst.idx.add.f32.msk $0xffff, v54  }
0x69: {  	v59 =	vadd.s32 $0x3, v21;
	v58 =	vmul.f32 v11, v24;
	[tilespmem:v52+s10+$0x0] =	vst.idx.add.f32.msk $0xffff, v55  }
0x6a: {  	v61 =	vadd.s32 $0x4, v21;
	v60 =	vmul.f32 v9, v24;
	[tilespmem:v25+s10+$0x0] =	vst.idx.add.f32.msk $0xffff, v27  }
0x6b: {  	v63 =	vadd.s32 $0x5, v21;
	v62 =	vmul.f32 v10, v24;
	[tilespmem:v21+s10+$0x0] =	vst.idx.add.f32.msk $0xffff, v58  }
0x6c: {  	v20 =	vand.u32 $0x1FFF, v20;
	v34 =	vadd.s32 $0x6, v21;
	v33 =	vmul.f32 v8, v24;
	[tilespmem:v56+s10+$0x0] =	vst.idx.add.f32.msk $0xffff, v60  }
0x6d: {  	v36 =	vadd.s32 $0x7, v21;
	v22 =	vmul.f32 v16, v22;
	v35 =	vmul.f32 v6, v24;
	[tilespmem:v57+s10+$0x0] =	vst.idx.add.f32.msk $0xffff, v62  }
0x6e: {  	v20 =	vmul.u32 $0x9, v20;
	v37 =	vmul.f32 v4, v24;
	v21 =	vadd.s32 $0x8, v21;
	[tilespmem:v59+s10+$0x0] =	vst.idx.add.f32.msk $0xffff, v33  }
0x6f: {  	v39 =	vmul.f32 v15, v22;
	v38 =	vmul.f32 v3, v24;
	[tilespmem:v61+s10+$0x0] =	vst.idx.add.f32.msk $0xffff, v35  }
0x70: {  	v41 =	vadd.s32 $0x1, v20;
	v40 =	vmul.f32 v5, v24;
	[tilespmem:v63+s10+$0x0] =	vst.idx.add.f32.msk $0xffff, v37  }
0x71: {  	v43 =	vadd.s32 $0x2, v20;
	v42 =	vnsel vm5, $0x0, v39;
	v24 =	vmul.f32 v7, v24;
	[tilespmem:v34+s10+$0x0] =	vst.idx.add.f32.msk $0xffff, v38  }
0x72: {  	v45 =	vadd.s32 $0x3, v20;
	v44 =	vmul.f32 v11, v42;
	[tilespmem:v36+s10+$0x0] =	vst.idx.add.f32.msk $0xffff, v40  }
0x73: {  	v47 =	vadd.s32 $0x4, v20;
	v46 =	vmul.f32 v9, v42;
	[tilespmem:v21+s10+$0x0] =	vst.idx.add.f32.msk $0xffff, v24  }
0x74: {  	v48 =	vmul.f32 v10, v42;
	v49 =	vadd.s32 $0x5, v20;
	[tilespmem:v20+s10+$0x0] =	vst.idx.add.f32.msk $0xffff, v44  }
0x75: {  	v51 =	vadd.s32 $0x6, v20;
	v50 =	vmul.f32 v8, v42;
	[tilespmem:v41+s10+$0x0] =	vst.idx.add.f32.msk $0xffff, v46  }
0x76: {  	v19 =	vand.u32 $0x1FFF, v19;
	v53 =	vadd.s32 $0x7, v20;
	v52 =	vmul.f32 v6, v42;
	[tilespmem:v43+s10+$0x0] =	vst.idx.add.f32.msk $0xffff, v48  }
0x77: {  	v19 =	vmul.u32 $0x9, v19;
	v54 =	vmul.f32 v4, v42;
	v20 =	vadd.s32 $0x8, v20;
	[tilespmem:v45+s10+$0x0] =	vst.idx.add.f32.msk $0xffff, v50  }
0x78: {  	v22 =	vmul.f32 v12, v22;
	v55 =	vmul.f32 v3, v42;
	[tilespmem:v47+s10+$0x0] =	vst.idx.add.f32.msk $0xffff, v52  }
0x79: {  	v56 =	vmul.f32 v5, v42;
	v57 =	vadd.s32 $0x1, v19;
	[tilespmem:v49+s10+$0x0] =	vst.idx.add.f32.msk $0xffff, v54  }
0x7a: {  	v22 =	vnsel vm4, $0x0, v22;
	v58 =	vmul.f32 v7, v42;
	v59 =	vadd.s32 $0x2, v19;
	[tilespmem:v51+s10+$0x0] =	vst.idx.add.f32.msk $0xffff, v55  }
0x7b: {  	v60 =	vmul.f32 v11, v22;
	v61 =	vadd.s32 $0x3, v19;
	[tilespmem:v53+s10+$0x0] =	vst.idx.add.f32.msk $0xffff, v56  }
0x7c: {  	v62 =	vmul.f32 v9, v22;
	v63 =	vadd.s32 $0x4, v19;
	[tilespmem:v20+s10+$0x0] =	vst.idx.add.f32.msk $0xffff, v58  }
0x7d: {  	v32 =	vmul.f32 v10, v22;
	v33 =	vadd.s32 $0x5, v19;
	[tilespmem:v19+s10+$0x0] =	vst.idx.add.f32.msk $0xffff, v60  }
0x7e: {  	v18 =	vand.u32 $0x1FFF, v18;
	v35 =	vadd.s32 $0x6, v19;
	v34 =	vmul.f32 v8, v22;
	[tilespmem:v57+s10+$0x0] =	vst.idx.add.f32.msk $0xffff, v62  }
0x7f: {  	v23 =	vmul.f32 v23, v17;
	v37 =	vadd.s32 $0x7, v19;
	v36 =	vmul.f32 v6, v22;
	[tilespmem:v59+s10+$0x0] =	vst.idx.add.f32.msk $0xffff, v32  }
0x80: {  	v18 =	vmul.u32 $0x9, v18;
	v38 =	vmul.f32 v4, v22;
	v19 =	vadd.s32 $0x8, v19;
	[tilespmem:v61+s10+$0x0] =	vst.idx.add.f32.msk $0xffff, v34  }
0x81: {  	v39 =	vmul.f32 v3, v22;
	v40 =	vmul.f32 v15, v23;
	[tilespmem:v63+s10+$0x0] =	vst.idx.add.f32.msk $0xffff, v36  }
0x82: {  	v42 =	vadd.s32 $0x1, v18;
	v41 =	vmul.f32 v5, v22;
	[tilespmem:v33+s10+$0x0] =	vst.idx.add.f32.msk $0xffff, v38  }
0x83: {  	v44 =	vnsel vm3, $0x0, v40;
	v43 =	vmul.f32 v7, v22;
	v45 =	vadd.s32 $0x2, v18;
	[tilespmem:v35+s10+$0x0] =	vst.idx.add.f32.msk $0xffff, v39  }
0x84: {  	v46 =	vmul.f32 v11, v44;
	v47 =	vadd.s32 $0x3, v18;
	[tilespmem:v37+s10+$0x0] =	vst.idx.add.f32.msk $0xffff, v41  }
0x85: {  	v48 =	vmul.f32 v9, v44;
	v49 =	vadd.s32 $0x4, v18;
	[tilespmem:v19+s10+$0x0] =	vst.idx.add.f32.msk $0xffff, v43  }
0x86: {  	v50 =	vmul.f32 v10, v44;
	v51 =	vadd.s32 $0x5, v18;
	[tilespmem:v18+s10+$0x0] =	vst.idx.add.f32.msk $0xffff, v46  }
0x87: {  	v52 =	vmul.f32 v8, v44;
	v53 =	vadd.s32 $0x6, v18;
	[tilespmem:v42+s10+$0x0] =	vst.idx.add.f32.msk $0xffff, v48  }
0x88: {  	v14 =	vand.u32 $0x1FFF, v14;
	v54 =	vmul.f32 v6, v44;
	v55 =	vadd.s32 $0x7, v18;
	[tilespmem:v45+s10+$0x0] =	vst.idx.add.f32.msk $0xffff, v50  }
0x89: {  	v14 =	vmul.u32 $0x9, v14;
	v56 =	vmul.f32 v4, v44;
	v18 =	vadd.s32 $0x8, v18;
	[tilespmem:v47+s10+$0x0] =	vst.idx.add.f32.msk $0xffff, v52  }
0x8a: {  	v58 =	vmul.f32 v23, v12;
	v57 =	vmul.f32 v3, v44;
	[tilespmem:v49+s10+$0x0] =	vst.idx.add.f32.msk $0xffff, v54  }
0x8b: {  	v60 =	vadd.s32 $0x1, v14;
	v59 =	vmul.f32 v5, v44;
	[tilespmem:v51+s10+$0x0] =	vst.idx.add.f32.msk $0xffff, v56  }
0x8c: {  	v21 =	vnsel vm2, $0x0, v58;
	v62 =	vadd.s32 $0x2, v14;
	v61 =	vmul.f32 v7, v44;
	[tilespmem:v53+s10+$0x0] =	vst.idx.add.f32.msk $0xffff, v57  }
0x8d: {  	v28 =	vadd.s32 $0x3, v14;
	v63 =	vmul.f32 v11, v21;
	[tilespmem:v55+s10+$0x0] =	vst.idx.add.f32.msk $0xffff, v59  }
0x8e: {  	v30 =	vadd.s32 $0x4, v14;
	v29 =	vmul.f32 v9, v21;
	[tilespmem:v18+s10+$0x0] =	vst.idx.add.f32.msk $0xffff, v61  }
0x8f: {  	v31 =	vmul.f32 v10, v21;
	v32 =	vadd.s32 $0x5, v14;
	[tilespmem:v14+s10+$0x0] =	vst.idx.add.f32.msk $0xffff, v63  }
0x90: {  	v13 =	vand.u32 $0x1FFF, v13;
	v34 =	vadd.s32 $0x6, v14;
	v33 =	vmul.f32 v8, v21;
	[tilespmem:v60+s10+$0x0] =	vst.idx.add.f32.msk $0xffff, v29  }
0x91: {  	v16 =	vmul.f32 v16, v17;
	v36 =	vadd.s32 $0x7, v14;
	v35 =	vmul.f32 v6, v21;
	[tilespmem:v62+s10+$0x0] =	vst.idx.add.f32.msk $0xffff, v31  }
0x92: {  	v13 =	vmul.u32 $0x9, v13;
	v37 =	vmul.f32 v4, v21;
	v14 =	vadd.s32 $0x8, v14;
	[tilespmem:v28+s10+$0x0] =	vst.idx.add.f32.msk $0xffff, v33  }
0x93: {  	v15 =	vmul.f32 v15, v16;
	v38 =	vmul.f32 v3, v21;
	[tilespmem:v30+s10+$0x0] =	vst.idx.add.f32.msk $0xffff, v35  }
0x94: {  	v40 =	vadd.s32 $0x1, v13;
	v39 =	vmul.f32 v5, v21;
	[tilespmem:v32+s10+$0x0] =	vst.idx.add.f32.msk $0xffff, v37  }
0x95: {  	v15 =	vnsel vm1, $0x0, v15;
	v41 =	vmul.f32 v7, v21;
	v42 =	vadd.s32 $0x2, v13;
	[tilespmem:v34+s10+$0x0] =	vst.idx.add.f32.msk $0xffff, v38  }
0x96: {  	v44 =	vadd.s32 $0x3, v13;
	v43 =	vmul.f32 v11, v15;
	[tilespmem:v36+s10+$0x0] =	vst.idx.add.f32.msk $0xffff, v39  }
0x97: {  	v46 =	vadd.s32 $0x4, v13;
	v45 =	vmul.f32 v9, v15;
	[tilespmem:v14+s10+$0x0] =	vst.idx.add.f32.msk $0xffff, v41  }
0x98: {  	v48 =	vadd.s32 $0x5, v13;
	v47 =	vmul.f32 v10, v15;
	[tilespmem:v13+s10+$0x0] =	vst.idx.add.f32.msk $0xffff, v43  }
0x99: {  	v50 =	vadd.s32 $0x6, v13;
	v49 =	vmul.f32 v8, v15;
	[tilespmem:v40+s10+$0x0] =	vst.idx.add.f32.msk $0xffff, v45  }
0x9a: {  	v2 =	vand.u32 $0x1FFF, v2;
	v52 =	vadd.s32 $0x7, v13;
	v51 =	vmul.f32 v6, v15;
	[tilespmem:v42+s10+$0x0] =	vst.idx.add.f32.msk $0xffff, v47  }
0x9b: {  	v2 =	vmul.u32 $0x9, v2;
	v53 =	vmul.f32 v4, v15;
	v13 =	vadd.s32 $0x8, v13;
	[tilespmem:v44+s10+$0x0] =	vst.idx.add.f32.msk $0xffff, v49  }
0x9c: {  	v12 =	vmul.f32 v12, v16;
	v54 =	vmul.f32 v3, v15;
	[tilespmem:v46+s10+$0x0] =	vst.idx.add.f32.msk $0xffff, v51  }
0x9d: {  	v56 =	vadd.s32 $0x1, v2;
	v55 =	vmul.f32 v5, v15;
	[tilespmem:v48+s10+$0x0] =	vst.idx.add.f32.msk $0xffff, v53  }
0x9e: {  	v12 =	vnsel vm0, $0x0, v12;
	v57 =	vadd.s32 $0x2, v2;
	v15 =	vmul.f32 v7, v15;
	[tilespmem:v50+s10+$0x0] =	vst.idx.add.f32.msk $0xffff, v54  }
0x9f: {  	v58 =	vadd.s32 $0x3, v2;
	v11 =	vmul.f32 v11, v12;
	[tilespmem:v52+s10+$0x0] =	vst.idx.add.f32.msk $0xffff, v55  }
0xa0: {  	v9 =	vmul.f32 v9, v12;
	v59 =	vadd.s32 $0x4, v2;
	[tilespmem:v13+s10+$0x0] =	vst.idx.add.f32.msk $0xffff, v15  }
0xa1: {  	v10 =	vmul.f32 v10, v12;
	v60 =	vadd.s32 $0x5, v2;
	[tilespmem:v2+s10+$0x0] =	vst.idx.add.f32.msk $0xffff, v11  }
0xa2: {  	v8 =	vmul.f32 v8, v12;
	v61 =	vadd.s32 $0x6, v2;
	[tilespmem:v56+s10+$0x0] =	vst.idx.add.f32.msk $0xffff, v9  }
0xa3: {  	v6 =	vmul.f32 v6, v12;
	v62 =	vadd.s32 $0x7, v2;
	[tilespmem:v57+s10+$0x0] =	vst.idx.add.f32.msk $0xffff, v10  }
0xa4: {  	v4 =	vmul.f32 v4, v12;
	v2 =	vadd.s32 $0x8, v2;
	[tilespmem:v58+s10+$0x0] =	vst.idx.add.f32.msk $0xffff, v8  }
.Ltmp9:
0xa5: {  	v3 =	vmul.f32 v3, v12;
	[tilespmem:v59+s10+$0x0] =	vst.idx.add.f32.msk $0xffff, v6;
	(pc) =	sbr.rel .LBB2_6-.Ltmp9, $4  }
0xa6: {  	v63 =	vmul.f32 v5, v12;
	[tilespmem:v60+s10+$0x0] =	vst.idx.add.f32.msk $0xffff, v4  }
0xa7: {  	[tilespmem:v61+s10+$0x0] =	vst.idx.add.f32.msk $0xffff, v3;
	v3 =	vmul.f32 v7, v12  }
0xa8: {  	[tilespmem:v62+s10+$0x0] =	vst.idx.add.f32.msk $0xffff, v63  }
0xa9: {  	[tilespmem:v2+s10+$0x0] =	vst.idx.add.f32.msk $0xffff, v3  }
.LBB2_10:
0xaa: {  	_ =	sfence.sel $0x180000  }
0xab: {  	[bflag:$0x0] =	sbarrier.arrive $0xFFFF  }
0xac: {  	p0 =	sne.s32 s5, $0x0;
	_ =	strace $0x9000004A  }
0xad: {  	s0 =	sadd.s32 @!p0 $0x100000, s0;
	[bflag:$0x2] =	sbarrier.arrive $0xFFFF  }
0xae: {  	[sflag:s0] =	ssyncadd.tile.s32 @!p0 $0x1;
	_ =	shalt  }
.Lfunc_end2:
_tile_overlayer_lowered:
.L_overlay_start_2:
0xaf: {  	(tag) =	ssettag $0x2  }
0xb0: {  	s0 =	rddreg [dreg:$0x0];
	s2 =	stileid.u32  }
0xb1: {  	s1 =	rddreg [dreg:$0x1];
	p0 =	sne.s32 s2, $0x0  }
0xb2: {  	s3 =	rddreg [dreg:$0x2];
	[bflag:$0x3] =	sbarrier.arrive $0xFFFF;
	s2 =	simm.s32 @!p0 $0x1C01  }
0xb3: {  	[timem:s3], [sflag:s2] =	dma.local @!p0 [hbm:s0], s1  }
0xb4: {  	s0 =	simm.s32 @!p0 $0x1  }
0xb5: {  	_ =	swait.ge @!p0 [sflag:s0], s1  }
0xb6: {  	s1 =	ssub.s32 @!p0 $0x0, s1;
	[sflag:s0] =	ssyncset.done @!p0 $0x0  }
0xb7: {  	[sflag:s0] =	ssyncadd.s32 @!p0 s1  }
0xb8: {  	[bflag:$0x3] =	sbarrier.arrive $0xFFFF  }
0xb9: {  	_ =	shalt  }

// kernel: sparse-core-data-format-call.1.cloned.1.call-start
scs
called_computation.1_lowered:
.L_overlay_start_0:
0x0: {  	s1 =	sld [smem:$0x3FD9]  }
0x1: {  	s2 =	sld [smem:$0x3FFE];
	_ =	sdelay $0x1  }
0x2: {  	s3 =	srdreg.scid  }
0x3: {  	s0 =	sand.u32 $0x1, s3  }
0x4: {  	s17 =	sshll.u32 s0, $0xA;
	s1 =	sadd.s32 s2, s1  }
0x5: {  	s1 =	sadd.s32 s1, s17  }
0x6: {  	[smem:$0x3FC5] =	sst s1  }
0x7: {  	_ = 	snop  }
0x8: {  	(tm) =	ssettm $0x1  }
0x9: {  	s18 =	sld [smem:$0x3FFB];
	_ =	sdelay $0x3  }
0xa: {  	_ =	strace s18  }
0xb: {  	s1 =	sld [smem:$0x3FFC];
	_ =	sdelay $0x3  }
0xc: {  	_ =	strace s1  }
0xd: {  	s1 =	sld [smem:$0x3FFD];
	_ =	sdelay $0x3  }
0xe: {  	_ =	strace s1  }
0xf: {  	_ =	strace $0x8FFFFFFF  }
0x10: {  	s19 =	sld [smem:$0x3FDB];
	_ =	sdelay $0x1  }
0x11: {  	s20 =	simm.s32 $_scs_section_size  }
0x12: {  	s4 =	simm.s32 $_size__tile_overlayer_lowered;
	s5 =	simm.s32 $_tile_overlayer_lowered  }
0x13: {  	s23 =	simm.s32 $0x1BFF;
	s22 =	sshll.u32 s5, $0x1;
	s1 =	sadd.s32 s20, s19  }
0x14: {  	s6 =	simm.s32 $0x0;
	s21 =	sshll.u32 s4, $0x1;
	s4 =	sadd.s32 s22, s1  }
0x15: {  	[timem:s6], [sflag:s23] =	dma.local [hbm:s4], s21  }
0x16: {  	_ =	swait.ge [sflag:s23], s21  }
0x17: {  	s2 =	ssub.s32 $0x0, s21;
	[sflag:s23] =	ssyncset.done $0x0  }
0x18: {  	[sflag:s23] =	ssyncadd.s32 s2;
	_ =	sdelay $0x1  }
0x19: {  	s24 =	simm.s32 $0x1B8B  }
0x1a: {  	_ =	swait.ge [sflag:s24], $0x1  }
0x1b: {  	[sflag:s24] =	ssyncset.done $0x0  }
0x1c: {  	s26 =	simm.s32 $0x1B8E;
	s25 =	sld [smem:$0x3FFE];
	[sflag:s24] =	ssyncadd.s32 $0xFFFFFFFF  }
0x1d: {  	s27 =	simm.s32 $execute0_lowered;
	[smem:$0x3FD2] =	sst s26  }
0x1e: {  	s4 =	sshll.u32 s27, $0x1;
	_ =	strace $0x80000046;
	[dreg:$0x1] =	wrdreg $0xFFFFFFFF  }
0x1f: {  	s28 =	simm.s32 $_size_execute0_lowered;
	s1 =	sadd.s32 s1, s4;
	[dreg:$0x0] =	wrdreg $0x0  }
0x20: {  	s4 =	sshll.u32 s28, $0x1;
	[dreg:$0x2] =	wrdreg s1  }
0x21: {  	[dreg:$0x3] =	wrdreg s4  }
0x22: {  	[dreg:$0x4] =	wrdreg $0xC0  }
0x23: {  	_ =	task [dreg:s6], $0x5FFFF  }
0x24: {  	[dreg:$0x1] =	wrdreg $0xFFFFFFFF  }
0x25: {  	[dreg:$0x0] =	wrdreg $0x60  }
0x26: {  	[dreg:$0x2] =	wrdreg s25  }
0x27: {  	[dreg:$0x3] =	wrdreg $0x9  }
0x28: {  	_ =	task.clear_ibuf [dreg:s6], $0x4FFFF;
	_ =	strace $0x90000046  }
0x29: {  	s29 =	simm.s32 $0x9;
	_ =	strace $0x80000048  }
0x2a: {  	_ =	swait.ge [sflag:s29], $0x1  }
0x2b: {  	[sflag:s29] =	ssyncadd.s32 $0xFFFFFFFF  }
0x2c: {  	_ =	strace $0x90000048  }
0x2d: {  	_ =	sfence  }
0x2e: {  	s30 =	sld [smem:$0x0];
	_ =	sdelay $0x2  }
0x2f: {  	s31 =	sshll.u32 s3, $0xD;
	s3 =	sshrl.u32 s3, $0x2  }
0x30: {  	s2 =	sand.u32 $0x4000, s31;
	s1 =	sadd.s32 s3, s30  }
0x31: {  	s0 =	sor.u32 s2, s0;
	s1 =	sshll.u32 s1, $0x11  }
0x32: {  	s0 =	sor.u32 s1, s0  }
0x33: {  	s0 =	sadd.s32 $0x8F2B, s0  }
0x34: {  	[sflag:s0] =	ssyncadd.remote.s32 $0x1  }
0x35: {  	_ =	sfence.sel $0xFFFF  }
0x36: {  	[dreg:$0x0] =	wrdreg $0xFFFFFFFF;
	(pc) =	sbr.abs _section_cstart, $3  }
0x37: {  	[dreg:$0x1] =	wrdreg $0xFFFFFFFF  }
0x38: {  	_ =	task.clear_ibuf [dreg:s6], $0x2FFFF;
	_ =	strace $0x9FFFFFFF  }
0x39: {  	(tm) =	ssettm $0x7FFFFFFF  }
tec
execute0_lowered:
.L_overlay_start_1:
0x0: {  	(tag) =	ssettag $0x1  }
0x1: {  	s2 =	stileid.u32  }
0x2: {  	s0 =	srdreg.scid;
	s7 =	rddreg [dreg:$0x0]  }
0x3: {  	_ =	strace $0x80000047;
	s31 =	simm.s32 $0x2;
	s16 =	simm.s32 $0x0  }
0x4: {  	s9 =	simm.s32 $0x80000;
	s1 =	sshll.u32 s2, $0x2;
	s0 =	sshll.u32 s0, $0x6  }
0x5: {  	s10 =	simm.s32 $0x0;
	s17 =	simm.s32 $0x0;
	s0 =	sor.u32 s1, s0  }
0x6: {  	s19 =	simm.s32 $0x0;
	s18 =	simm.s32 $0x0;
	s1 =	sand.u32 $0x78, s0  }
0x7: {  	s11 =	simm.s32 $0x0;
	s2 =	sand.u32 $0x1, s2;
	s0 =	ssub.s32 $0x200, s1  }
0x8: {  	s12 =	simm.s32 $0x0;
	s3 =	ssub.s32 $0x2, s2;
	s4 =	sand.u32 $0x78, s0  }
0x9: {  	s5 =	sshrl.u32 s3, $0x1;
	p0 =	sne.s32 s4, $0x0;
	s4 =	simm.s32 $0x1  }
0xa: {  	s3 =	sand.u32 $0x1, s3;
	s0 =	sshrl.u32 s0, $0x7;
	s4 =	simm.s32 @!p0 $0x0  }
.Ltmp0:
0xb: {  	s3 =	sadd.s32 s3, s5;
	s0 =	sadd.s32 s4, s0;
	(pc) =	sbr.rel .LBB1_1-.Ltmp0, $4  }
0xc: {  	s15 =	simm.s32 $0x0;
	s5 =	simm.s32 $0x1;
	s0 =	smul.u32 s0, s3  }
0xd: {  	s25 =	simm.s32 $0x0;
	s14 =	smov.u32 s2;
	[sflag:s5] =	ssyncpa.u1 $0x0  }
0xe: {  	s13 =	smov.u32 s1;
	[sflag:s31] =	ssyncpa.u1 $0x0;
	s6 =	sshll.u32 s0, $0x2  }
0xf: {  	s4 =	sadd.s32 $0xC00, s7;
	s7 =	sadd.s32 $0x100C00, s7;
	s8 =	sor.u32 $0x1, s6  }
.LBB1_7:
0x10: {  	s0 =	sadd.s32 $0x100, s11  }
0x11: {  	s3 =	sadd.s32 $0x8, s12;
	s20 =	smov.u32 s12;
	p1 =	sgt.s32 s0, $0x3FF  }
0x12: {  	s20 =	smov.u32 @p1 s3  }
0x13: {  	s21 =	smov.u32 s13;
	s3 =	sadd.s32 $0x80, s13;
	p2 =	sgt.s32 s20, $0x7  }
0x14: {  	s21 =	smov.u32 @p2 s3  }
0x15: {  	s22 =	smov.u32 s14;
	s3 =	sadd.s32 $0x2, s14;
	p3 =	sgt.s32 s21, $0x1FF  }
0x16: {  	p0 =	slt.u32 s15, $0x2;
	s22 =	smov.u32 @p3 s3  }
0x17: {  	s16 =	smov.u32 s11;
	s0 =	simm.s32 @p1 $0x0;
	p1 =	sgt.s32 s22, $0x1  }
0x18: {  	s17 =	smov.u32 s12;
	s22 =	smov.u32 @p1 s2;
	p1 =	sne.s32 s15, s8  }
.Ltmp1:
0x19: {  	s19 =	smov.u32 s13;
	s18 =	smov.u32 s14;
	(pc) =	sbr.rel @!p1 .LBB1_8-.Ltmp1, $4  }
0x1a: {  	s10 =	sadd.s32 $0x4000, s10;
	s11 =	smov.u32 s0;
	s3 =	simm.s32 @!p0 $0x2  }
0x1b: {  	s20 =	simm.s32 @p2 $0x0;
	s21 =	smov.u32 @p3 s1;
	_ =	swait.ge @!p0 [sflag:s3], $0x4000  }
0x1c: {  	s12 =	smov.u32 s20;
	s13 =	smov.u32 s21;
	[sflag:s3] =	ssyncset.done @!p0 $0x0  }
0x1d: {  	s15 =	sadd.s32 $0x1, s15;
	[sflag:s3] =	ssyncadd.s32 @!p0 $0xFFFFC000;
	s14 =	smov.u32 s22  }
.LBB1_1:
0x1e: {  	p0 =	sge.u32 s15, s6  }
0x1f: {  	s31 =	sadd.s32 $0xFFFFFFFF, s15;
	s0 =	sxor.u32 @!p0 $0xFFFFFFFF, s15  }
0x20: {  	s3 =	sshll.u32 @!p0 s12, $0x7;
	s20 =	sand.u32 @!p0 $0x78, s11;
	s21 =	sshll.u32 @!p0 s14, $0x13  }
0x21: {  	s22 =	sand.u32 @!p0 $0x380, s11;
	s0 =	sshll.u32 @!p0 s0, $0xE;
	s3 =	sand.u32 @!p0 $0x380, s3  }
0x22: {  	s21 =	sadd.s32 @!p0 s4, s21;
	s3 =	sor.u32 @!p0 s20, s3;
	s20 =	sshll.u32 @!p0 s13, $0xA  }
0x23: {  	s0 =	sand.u32 @!p0 $0x4000, s0;
	s20 =	sadd.s32 @!p0 s20, s21;
	s21 =	sand.u32 @!p0 $0x7, s11  }
0x24: {  	s3 =	sshrl.u32 @!p0 s3, $0x3;
	s20 =	sadd.s32 @!p0 s22, s20;
	s21 =	sshll.u32 @!p0 s21, $0x12  }
0x25: {  	s3 =	sadd.s32 @!p0 s3, s20;
	s20 =	sor.u32 @!p0 $0x800, s21;
	s21 =	simm.s32 @!p0 $0x2000  }
0x26: {  	[tilespmem:s0], [sflag:$0x1] =	stream.strided.gather @!p0 [hbm4b:s3+s20], $0x4000, s21, s20, $0x38;
	[tilespmem:$0x10000] =	vst v63  }
0x27: {  	p0 =	sge.u32 s31, s6  }
.Ltmp2:
0x28: {  	_ = 	snop;
	(pc) =	sbr.rel @p0 .LBB1_7-.Ltmp2, $1  }
0x29: {  	_ =	sdelay $0x3  }
0x2a: {  	s0 =	sshll.u32 s10, $0x2;
	_ =	swait.ge [sflag:s5], $0x4000;
	s3 =	sshll.u32 s15, $0xE  }
0x2b: {  	p0 =	por $0x0, $0x0;
	s26 =	simm.s32 $0x0;
	s27 =	simm.s32 $0x0  }
0x2c: {  	s0 =	sand.u32 $0x10000, s0;
	[sflag:s5] =	ssyncset.done $0x0;
	s23 =	sand.u32 $0x4000, s3  }
0x2d: {  	s0 =	sshrl.u32 s0, $0x2;
	[sflag:s5] =	ssyncadd.s32 $0xFFFFC000;
	s20 =	sor.u32 $0x8000, s23  }
0x2e: {  	s21 =	sor.u32 $0x40, s0;
	s22 =	sor.u32 $0x8410, s0;
	s24 =	sadd.s32 $0x8400, s0  }
.LBB1_3:
0x2f: {  	v1 =	vld [tilespmem:s21+$0xFFFFFFD0]  }
0x30: {  	v2 =	vld [tilespmem:s21+$0x430]  }
0x31: {  	s0 =	sshll.u32 s27, $0xB;
	v4 =	vld [tilespmem:s21+$0xFFFFFFE0]  }
0x32: {  	v7 =	vld [tilespmem:s21+$0xFFFFFFF0];
	v0 =	vmov s0  }
0x33: {  	v8 =	vld [tilespmem:s21+$0x0]  }
0x34: {  	v9 =	vld [tilespmem:s21+$0x10];
	s0 =	sand.u32 $0x300, s25  }
0x35: {  	s3 =	sand.u32 $0x80, s25;
	v10 =	vld [tilespmem:s21+$0x20];
	s0 =	sadd.s32 s0, s23  }
0x36: {  	v11 =	vld [tilespmem:s21+$0x30];
	s0 =	sadd.s32 s3, s0;
	s3 =	simm.s32 $0x1;
	[tilespmem:s22+$0x60] =	vst v2  }
0x37: {  	s3 =	simm.s32 @!p0 $0x0;
	[tilespmem:s22+$0xFFFFFC00] =	vst v1;
	v3 =	vld.idx.msk [tilespmem:v0+s0+$0x400 ss:$0x1], $0xffff;
	s0 =	sshll.u32 s26, $0x2  }
0x38: {  	v6 =	vld [tilespmem:s21+$0x3D0];
	s3 =	sshll.u32 s3, $0x9;
	[tilespmem:s22+$0xFFFFFC10] =	vst v4;
	s0 =	sand.u32 $0xFFFFFC00, s0  }
0x39: {  	v5 =	vld [tilespmem:s21+$0x3E0];
	[tilespmem:s22+$0xFFFFFC20] =	vst v7;
	s0 =	sor.u32 s3, s0  }
0x3a: {  	[tilespmem:s22+$0xFFFFFC30] =	vst v8;
	v4 =	vld [tilespmem:s21+$0x400];
	s0 =	sshrl.u32 s0, $0x2  }
0x3b: {  	[tilespmem:s22+$0xFFFFFC40] =	vst v9;
	v1 =	vld [tilespmem:s21+$0x410];
	s28 =	sadd.s32 s0, s24  }
0x3c: {  	[tilespmem:s28+$0x0] =	vst v3;
	v3 =	vld [tilespmem:s21+$0x3F0]  }
0x3d: {  	s31 =	simm.s32 $0x100;
	[tilespmem:s22+$0xFFFFFC50] =	vst v10;
	v2 =	vld [tilespmem:s21+$0x420];
	s3 =	simm.s32 $0x80  }
0x3e: {  	s29 =	sadd.s32 $0x80, s21;
	s30 =	smov.u32 s22;
	v7 =	vld [tilespmem:s21+$0xFFFFFFC0];
	[tilespmem:s22+$0xFFFFFC60] =	vst v11;
	s0 =	sand.u32 $0x300, s3  }
.LBB1_4:
0x3f: {  	p1 =	sne.s32 s31, $0x380;
	v8 =	vld [tilespmem:s29+$0xFFFFFFD0];
	s3 =	sand.u32 $0x80, s3;
	s0 =	sadd.s32 s0, s23;
	[tilespmem:s30+$0x0] =	vst v6  }
0x40: {  	s0 =	sadd.s32 s3, s0;
	v6 =	vld [tilespmem:s29+$0x430];
	[tilespmem:s30+$0x10] =	vst v5;
	s3 =	smov.u32 s31  }
0x41: {  	v5 =	vld.idx.msk [tilespmem:v0+s0+$0x400 ss:$0x1], $0xffff;
	[tilespmem:s30+$0x20] =	vst v3  }
0x42: {  	v3 =	vld [tilespmem:s29+$0xFFFFFFE0];
	[tilespmem:s30+$0x30] =	vst v4  }
0x43: {  	v4 =	vld [tilespmem:s29+$0xFFFFFFF0];
	[tilespmem:s30+$0xFFFFFBF0] =	vst v7  }
0x44: {  	v7 =	vld [tilespmem:s29+$0x0];
	[tilespmem:s30+$0x40] =	vst v1  }
0x45: {  	v1 =	vld [tilespmem:s29+$0x10];
	[tilespmem:s30+$0x50] =	vst v2;
	s30 =	sadd.s32 $0x800, s30  }
0x46: {  	s28 =	sadd.s32 $0x800, s28;
	v2 =	vld [tilespmem:s29+$0x20];
	[tilespmem:s30+$0x60] =	vst v6  }
0x47: {  	v9 =	vld [tilespmem:s29+$0x30];
	[tilespmem:s28+$0x0] =	vst v5  }
0x48: {  	[tilespmem:s30+$0xFFFFFC00] =	vst v8;
	v6 =	vld [tilespmem:s29+$0x3D0]  }
0x49: {  	[tilespmem:s30+$0xFFFFFC10] =	vst v3;
	v5 =	vld [tilespmem:s29+$0x3E0]  }
.Ltmp3:
0x4a: {  	[tilespmem:s30+$0xFFFFFC20] =	vst v4;
	v3 =	vld [tilespmem:s29+$0x3F0];
	(pc) =	sbr.rel @p1 .LBB1_4-.Ltmp3, $4  }
0x4b: {  	[tilespmem:s30+$0xFFFFFC30] =	vst v7;
	v4 =	vld [tilespmem:s29+$0x400]  }
0x4c: {  	[tilespmem:s30+$0xFFFFFC40] =	vst v1;
	v1 =	vld [tilespmem:s29+$0x410]  }
0x4d: {  	[tilespmem:s30+$0xFFFFFC50] =	vst v2;
	v2 =	vld [tilespmem:s29+$0x420]  }
0x4e: {  	s31 =	sadd.s32 $0x80, s31;
	s0 =	sand.u32 $0x300, s3;
	v7 =	vld [tilespmem:s29+$0xFFFFFFC0];
	[tilespmem:s30+$0xFFFFFC60] =	vst v9;
	s29 =	sadd.s32 $0x80, s29  }
0x4f: {  	[tilespmem:s30+$0x0] =	vst v6  }
0x50: {  	[tilespmem:s30+$0x10] =	vst v5  }
0x51: {  	v49 =	vld [tilespmem:s29+$0x430];
	[tilespmem:s30+$0x20] =	vst v3  }
0x52: {  	v50 =	vld [tilespmem:s29+$0xFFFFFFD0];
	[tilespmem:s30+$0x30] =	vst v4  }
0x53: {  	v51 =	vld [tilespmem:s29+$0xFFFFFFE0];
	[tilespmem:s30+$0x40] =	vst v1  }
0x54: {  	v52 =	vld [tilespmem:s29+$0xFFFFFFF0];
	[tilespmem:s30+$0x50] =	vst v2  }
0x55: {  	v53 =	vld [tilespmem:s29+$0x0];
	[tilespmem:s30+$0xFFFFFBF0] =	vst v7;
	s30 =	sadd.s32 $0x800, s30  }
0x56: {  	v54 =	vld [tilespmem:s29+$0x10];
	[tilespmem:s30+$0x60] =	vst v49  }
0x57: {  	v55 =	vld [tilespmem:s29+$0x20];
	[tilespmem:s30+$0xFFFFFC00] =	vst v50  }
0x58: {  	v56 =	vld [tilespmem:s29+$0x30];
	[tilespmem:s30+$0xFFFFFC10] =	vst v51  }
0x59: {  	v57 =	vld [tilespmem:s29+$0x3D0];
	[tilespmem:s30+$0xFFFFFC20] =	vst v52  }
0x5a: {  	v58 =	vld [tilespmem:s29+$0x3E0];
	[tilespmem:s30+$0xFFFFFC30] =	vst v53  }
0x5b: {  	v59 =	vld [tilespmem:s29+$0x3F0];
	[tilespmem:s30+$0xFFFFFC40] =	vst v54  }
0x5c: {  	v60 =	vld [tilespmem:s29+$0x400];
	[tilespmem:s30+$0xFFFFFC50] =	vst v55  }
0x5d: {  	v61 =	vld [tilespmem:s29+$0xFFFFFFC0];
	[tilespmem:s30+$0xFFFFFC60] =	vst v56  }
0x5e: {  	s3 =	sand.u32 $0x80, s3;
	s0 =	sadd.s32 s0, s23;
	v62 =	vld [tilespmem:s29+$0x410];
	[tilespmem:s30+$0x0] =	vst v57  }
0x5f: {  	v63 =	vld [tilespmem:s29+$0x420];
	s27 =	sadd.s32 $0x1, s27;
	s0 =	sadd.s32 s3, s0;
	[tilespmem:s30+$0x10] =	vst v58  }
0x60: {  	p1 =	sne.s32 s27, $0x8;
	v0 =	vld.idx.msk [tilespmem:v0+s0+$0x400 ss:$0x1], $0xffff;
	[tilespmem:s30+$0x20] =	vst v59  }
.Ltmp4:
0x61: {  	[tilespmem:s30+$0x30] =	vst v60;
	(pc) =	sbr.rel @p1 .LBB1_3-.Ltmp4, $4  }
0x62: {  	[tilespmem:s30+$0xFFFFFBF0] =	vst v61  }
0x63: {  	[tilespmem:s30+$0x40] =	vst v62  }
0x64: {  	s31 =	sadd.s32 $0x800, s28;
	s21 =	sadd.s32 $0x800, s21;
	[tilespmem:s30+$0x50] =	vst v63  }
0x65: {  	s26 =	sadd.s32 $0x80, s26;
	p0 =	por !p0, !p0;
	s22 =	sadd.s32 $0x80, s22;
	[tilespmem:s31+$0x0] =	vst v0  }
0x66: {  	s0 =	sshll.u32 s19, $0x7  }
0x67: {  	s3 =	sand.u32 $0x78, s16;
	s18 =	sshll.u32 s18, $0x13;
	s17 =	sshll.u32 s17, $0x10  }
0x68: {  	s30 =	sand.u32 $0x7, s16;
	s19 =	sand.u32 $0x380, s0;
	s0 =	sand.u32 $0xFC00, s0  }
.Ltmp5:
0x69: {  	s18 =	sadd.s32 s7, s18;
	s3 =	sor.u32 s19, s3;
	(pc) =	sbr.rel .LBB1_7-.Ltmp5, $4  }
0x6a: {  	s0 =	sadd.s32 s16, s0;
	s17 =	sadd.s32 s17, s18;
	s3 =	sshrl.u32 s3, $0x3  }
0x6b: {  	s16 =	sshll.u32 s30, $0x12;
	s0 =	sand.u32 $0xFF80, s0;
	s3 =	sadd.s32 s3, s17  }
0x6c: {  	s31 =	sor.u32 $0x800, s16;
	s0 =	sadd.s32 s0, s3  }
0x6d: {  	[hbm4b:s0+s31] =	stream.strided.scatter [tilespmem:s20], [sflag:$0x2], $0x4000, s9, s31, $0x38;
	[tilespmem:$0x10000] =	vst v63  }
.LBB1_8:
0x6e: {  	_ =	sfence.sel $0x180000  }
0x6f: {  	s0 =	simm.s32 $0x1;
	[bflag:$0x0] =	sbarrier.arrive $0xFFFF  }
0x70: {  	s30 =	simm.s32 $0x2;
	[sflag:s0] =	ssyncpa.u1 $0x1  }
0x71: {  	[sflag:s30] =	ssyncpa.u1 $0x1  }
0x72: {  	_ =	strace $0x90000047  }
0x73: {  	s31 =	stileid.u32;
	[bflag:$0x2] =	sbarrier.arrive $0xFFFF  }
0x74: {  	p0 =	sne.s32 s31, $0x0;
	s0 =	rddreg [dreg:$0x1]  }
0x75: {  	s0 =	sadd.s32 @!p0 $0x100000, s0  }
0x76: {  	[sflag:s0] =	ssyncadd.tile.s32 @!p0 $0x1;
	_ =	shalt  }
.Lfunc_end1:
_tile_overlayer_lowered:
.L_overlay_start_2:
0x77: {  	(tag) =	ssettag $0x2  }
0x78: {  	s0 =	rddreg [dreg:$0x0];
	s2 =	stileid.u32  }
0x79: {  	s1 =	rddreg [dreg:$0x1];
	p0 =	sne.s32 s2, $0x0  }
0x7a: {  	s3 =	rddreg [dreg:$0x2];
	[bflag:$0x3] =	sbarrier.arrive $0xFFFF;
	s2 =	simm.s32 @!p0 $0x1C01  }
0x7b: {  	[timem:s3], [sflag:s2] =	dma.local @!p0 [hbm:s0], s1  }
0x7c: {  	s0 =	simm.s32 @!p0 $0x1  }
0x7d: {  	_ =	swait.ge @!p0 [sflag:s0], s1  }
0x7e: {  	s1 =	ssub.s32 @!p0 $0x0, s1;
	[sflag:s0] =	ssyncset.done @!p0 $0x0  }
0x7f: {  	[sflag:s0] =	ssyncadd.s32 @!p0 s1  }
0x80: {  	[bflag:$0x3] =	sbarrier.arrive $0xFFFF  }
0x81: {  	_ =	shalt  }

// kernel: sparse-core-data-format-call.cloned.1.call-start
scs
called_computation_lowered:
.L_overlay_start_0:
0x0: {  	s2 =	sld [smem:$0x3FD9]  }
0x1: {  	s3 =	sld [smem:$0x3FFE];
	_ =	sdelay $0x1  }
0x2: {  	s1 =	srdreg.scid  }
0x3: {  	s0 =	sand.u32 $0x1, s1  }
0x4: {  	s18 =	sshll.u32 s0, $0xA;
	s2 =	sadd.s32 s3, s2  }
0x5: {  	s2 =	sadd.s32 s2, s18  }
0x6: {  	[smem:$0x3FC5] =	sst s2  }
0x7: {  	_ = 	snop  }
0x8: {  	s2 =	sld [smem:$0x3FD0];
	(tm) =	ssettm $0x1  }
0x9: {  	s19 =	sld [smem:$0x3FFB];
	_ =	sdelay $0x3  }
0xa: {  	_ =	strace s19  }
0xb: {  	s3 =	sld [smem:$0x3FFC];
	_ =	sdelay $0x3  }
0xc: {  	_ =	strace s3  }
0xd: {  	s3 =	sld [smem:$0x3FFD];
	_ =	sdelay $0x3  }
0xe: {  	_ =	strace s3  }
0xf: {  	_ =	strace $0x8FFFFFFF  }
0x10: {  	s20 =	sld [smem:$0x3FDB];
	_ =	sdelay $0x1  }
0x11: {  	s4 =	simm.s32 $_scs_section_size  }
0x12: {  	s5 =	simm.s32 $_size__tile_overlayer_lowered;
	s6 =	simm.s32 $_tile_overlayer_lowered  }
0x13: {  	s23 =	simm.s32 $0x1BFF;
	s22 =	sshll.u32 s6, $0x1;
	s3 =	sadd.s32 s4, s20  }
0x14: {  	s7 =	simm.s32 $0x0;
	s21 =	sshll.u32 s5, $0x1;
	s5 =	sadd.s32 s22, s3  }
0x15: {  	[timem:s7], [sflag:s23] =	dma.local [hbm:s5], s21  }
0x16: {  	_ =	swait.ge [sflag:s23], s21  }
0x17: {  	s4 =	ssub.s32 $0x0, s21;
	[sflag:s23] =	ssyncset.done $0x0  }
0x18: {  	[sflag:s23] =	ssyncadd.s32 s4;
	_ =	sdelay $0x1  }
0x19: {  	s24 =	simm.s32 $0x1B8B  }
0x1a: {  	_ =	swait.ge [sflag:s24], $0x1  }
0x1b: {  	[sflag:s24] =	ssyncset.done $0x0  }
0x1c: {  	s26 =	simm.s32 $0x1B8E;
	s25 =	sld [smem:$0x3FFE];
	[sflag:s24] =	ssyncadd.s32 $0xFFFFFFFF  }
0x1d: {  	s27 =	simm.s32 $execute0_lowered;
	[smem:$0x3FD2] =	sst s26  }
0x1e: {  	s5 =	sshll.u32 s27, $0x1;
	_ =	strace $0x8000004C;
	[dreg:$0x1] =	wrdreg $0xFFFFFFFF  }
0x1f: {  	s28 =	simm.s32 $_size_execute0_lowered;
	s3 =	sadd.s32 s3, s5;
	[dreg:$0x0] =	wrdreg $0x0  }
0x20: {  	s5 =	sshll.u32 s28, $0x1;
	[dreg:$0x2] =	wrdreg s3  }
0x21: {  	[dreg:$0x3] =	wrdreg s5  }
0x22: {  	[dreg:$0x4] =	wrdreg $0xC0  }
0x23: {  	_ =	task [dreg:s7], $0x5FFFF  }
0x24: {  	[dreg:$0x1] =	wrdreg $0xFFFFFFFF  }
0x25: {  	[dreg:$0x0] =	wrdreg $0x60  }
0x26: {  	[dreg:$0x2] =	wrdreg s25  }
0x27: {  	[dreg:$0x3] =	wrdreg s2  }
0x28: {  	[dreg:$0x4] =	wrdreg $0x9  }
0x29: {  	_ =	task.clear_ibuf [dreg:s7], $0x5FFFF;
	_ =	strace $0x9000004C  }
0x2a: {  	s29 =	simm.s32 $0x9;
	_ =	strace $0x8000004E  }
0x2b: {  	_ =	swait.ge [sflag:s29], $0x1  }
0x2c: {  	[sflag:s29] =	ssyncadd.s32 $0xFFFFFFFF  }
0x2d: {  	_ =	strace $0x9000004E  }
0x2e: {  	_ =	sfence  }
0x2f: {  	s30 =	sld [smem:$0x0];
	_ =	sdelay $0x2  }
0x30: {  	s31 =	sshll.u32 s1, $0xD;
	s1 =	sshrl.u32 s1, $0x2  }
0x31: {  	s3 =	sand.u32 $0x4000, s31;
	s1 =	sadd.s32 s1, s30  }
0x32: {  	s0 =	sor.u32 s3, s0;
	s1 =	sshll.u32 s1, $0x11  }
0x33: {  	s0 =	sor.u32 s1, s0  }
0x34: {  	s0 =	sadd.s32 $0x8F2B, s0  }
0x35: {  	[sflag:s0] =	ssyncadd.remote.s32 $0x1  }
0x36: {  	_ =	sfence.sel $0xFFFF  }
0x37: {  	[dreg:$0x0] =	wrdreg $0xFFFFFFFF;
	(pc) =	sbr.abs _section_cstart, $3  }
0x38: {  	[dreg:$0x1] =	wrdreg $0xFFFFFFFF  }
0x39: {  	_ =	task.clear_ibuf [dreg:s7], $0x2FFFF;
	_ =	strace $0x9FFFFFFF  }
0x3a: {  	(tm) =	ssettm $0x7FFFFFFF  }
0x3b: {  	_ =	shalt  }
tec
execute0_lowered:
.L_overlay_start_1:
0x0: {  	(tag) =	ssettag $0x1  }
0x1: {  	s0 =	srdreg.scid  }
0x2: {  	s5 =	rddreg [dreg:$0x0];
	s1 =	sshll.u32 s0, $0x4  }
0x3: {  	s2 =	rddreg [dreg:$0x1];
	s0 =	stileid.u32;
	s1 =	sand.u32 $0x10, s1  }
0x4: {  	s4 =	simm.s32 $0x1;
	s8 =	simm.s32 $0x2;
	s1 =	sor.u32 s0, s1  }
0x5: {  	s12 =	simm.s32 $0x0;
	s9 =	simm.s32 $0x0;
	s3 =	sshll.u32 s1, $0x7  }
0x6: {  	s11 =	simm.s32 $0x0;
	s5 =	sadd.s32 $0x220C00, s5;
	s6 =	ssub.s32 $0x100000, s3  }
.Ltmp0:
0x7: {  	s1 =	rddreg [dreg:$0x2];
	s7 =	sand.u32 $0xF80, s6;
	(pc) =	sbr.rel .LBB1_1-.Ltmp0, $4  }
0x8: {  	_ =	strace $0x8000004D;
	p0 =	sne.s32 s7, $0x0;
	s7 =	simm.s32 $0x1  }
0x9: {  	[sflag:s4] =	ssyncpa.u1 $0x0;
	s6 =	sshrl.u32 s6, $0xC;
	s7 =	simm.s32 @!p0 $0x0  }
0xa: {  	s10 =	smov.u32 s3;
	[sflag:s8] =	ssyncpa.u1 $0x0;
	s6 =	sadd.s32 s7, s6  }
0xb: {  	s8 =	simm.s32 $0x800000;
	p0 =	por $0x0, $0x0;
	s7 =	sadd.s32 $0x1, s6  }
.LBB1_4:
0xc: {  	p1 =	sgt.s32 s9, $0xFFF80;
	s15 =	smov.u32 s9;
	s16 =	sshra.s32 s9, $0x1F  }
0xd: {  	s15 =	simm.s32 @!p1 $0xFFF80;
	s16 =	sand.u32 s16, s9  }
0xe: {  	s26 =	sshll.u32 s9, $0x3;
	s17 =	sand.u32 $0x78, s9;
	s15 =	ssub.s32 s15, s16  }
0xf: {  	s28 =	sand.u32 $0x1E0000, s9;
	s16 =	sand.u32 $0xFFC00, s26;
	s15 =	sadd.s32 $0xFFF00080, s15  }
0x10: {  	s29 =	sand.u32 $0x7, s9;
	s16 =	sor.u32 s17, s16;
	s18 =	sshll.u32 s15, $0x6  }
0x11: {  	s17 =	sadd.s32 s2, s28;
	p1 =	sgt.s32 s15, $0x7F;
	s27 =	ssub.s32 $0x2000, s18  }
0x12: {  	s16 =	sshrl.u32 s16, $0x3;
	s18 =	sshll.u32 s29, $0x12;
	s15 =	sshrl.u32 s27, $0x2  }
0x13: {  	[tilespmem:s14+$0x0 ss:$0x81] =	vst.msk $0xffff, v0;
	s30 =	sadd.s32 s16, s17;
	s31 =	sor.u32 $0x400, s18;
	s15 =	simm.s32 @p1 $0x0  }
0x14: {  	[hbm4b:s30+s31] =	stream.strided.scatter [tilespmem:s13], [sflag:$0x2], s15, s8, s31, $0x20;
	[tilespmem:$0x4040] =	vst v63  }
.LBB1_5:
0x15: {  	p1 =	slt.u32 s11, $0x2  }
0x16: {  	p2 =	sgt.s32 @!p1 s12, $0xFFF80  }
0x17: {  	s13 =	smov.u32 s12;
	s14 =	sshra.s32 @!p1 s12, $0x1F;
	p2 =	por !p2, p1  }
0x18: {  	s12 =	sand.u32 @!p1 s14, s12;
	s13 =	simm.s32 @p2 $0xFFF80  }
0x19: {  	s12 =	ssub.s32 @!p1 s13, s12  }
0x1a: {  	s12 =	sadd.s32 @!p1 $0xFFF00080, s12  }
0x1b: {  	s13 =	sshll.u32 @!p1 s12, $0x6  }
0x1c: {  	p2 =	sgt.s32 @!p1 s12, $0x7F;
	s12 =	ssub.s32 @!p1 $0x2000, s13  }
0x1d: {  	s14 =	sadd.s32 $0x1000, s10;
	p2 =	por !p2, p1;
	s12 =	sshrl.u32 @!p1 s12, $0x2  }
0x1e: {  	s12 =	simm.s32 @!p2 $0x0;
	p2 =	sgt.s32 s14, $0xFFFFF  }
0x1f: {  	s14 =	smov.u32 @p2 s3;
	p2 =	sne.s32 s11, s7  }
.Ltmp1:
0x20: {  	_ = 	snop;
	(pc) =	sbr.rel @!p2 .LBB1_6-.Ltmp1, $4  }
0x21: {  	s13 =	simm.s32 @!p1 $0x2  }
0x22: {  	p0 =	por !p0, !p0;
	_ =	swait.ge @!p1 [sflag:s13], s12;
	s15 =	ssub.s32 @!p1 $0x0, s12  }
0x23: {  	s12 =	smov.u32 s9;
	s11 =	sadd.s32 $0x1, s11;
	[sflag:s13] =	ssyncset.done @!p1 $0x0  }
0x24: {  	s9 =	smov.u32 s10;
	s10 =	smov.u32 s14;
	[sflag:s13] =	ssyncadd.s32 @!p1 s15  }
.LBB1_1:
0x25: {  	p1 =	sge.u32 s11, s6  }
0x26: {  	s31 =	sadd.s32 $0xFFFFFFFF, s11;
	s13 =	sxor.u32 @!p1 $0xFFFFFFFF, s11;
	s14 =	sshll.u32 @!p1 s10, $0x4  }
0x27: {  	s15 =	simm.s32 @!p1 $0x20;
	s13 =	sshll.u32 @!p1 s13, $0xC;
	s14 =	sand.u32 @!p1 $0xFFFFF0, s14  }
0x28: {  	s16 =	simm.s32 @!p1 $0x80;
	s13 =	sand.u32 @!p1 $0x1000, s13;
	s14 =	sadd.s32 @!p1 s5, s14  }
0x29: {  	[tilespmem:s13], [sflag:$0x1] =	stream.strided.gather @!p1 [hbm4b:s14+s15], $0x1000, s16, s15, $0x38;
	[tilespmem:$0x4040] =	vst v63  }
0x2a: {  	p1 =	sge.u32 s31, s6  }
.Ltmp2:
0x2b: {  	_ = 	snop;
	(pc) =	sbr.rel @p1 .LBB1_5-.Ltmp2, $1  }
0x2c: {  	_ =	sdelay $0x3  }
0x2d: {  	s13 =	simm.s32 $0x1  }
0x2e: {  	_ =	swait.ge [sflag:s4], $0x1000;
	s13 =	simm.s32 @!p0 $0x0  }
0x2f: {  	[sflag:s4] =	ssyncset.done $0x0;
	s14 =	sshll.u32 s13, $0xC  }
0x30: {  	[sflag:s4] =	ssyncadd.s32 $0xFFFFF000;
	s17 =	sor.u32 $0x10, s14  }
0x31: {  	s13 =	smul.u32 $0x4080, s13;
	v1 =	vld [tilespmem:s17+$0x0]  }
0x32: {  	s30 =	sand.u32 $0x1, s11;
	v0 =	vld [tilespmem:s17+$0xFFFFFFF0]  }
0x33: {  	s14 =	smul.u32 $0x4080, s30;
	s13 =	sshrl.u32 s13, $0x2  }
0x34: {  	s15 =	sor.u32 $0x2000, s13  }
0x35: {  	s31 =	sshrl.u32 s14, $0x2;
	s14 =	sadd.s32 $0x0, s15  }
0x36: {  	s16 =	simm.s32 $0x4;
	s17 =	sadd.s32 $0x20, s17;
	s13 =	sor.u32 $0x2000, s31;
	[tilespmem:s14+$0x810 ss:$0x81] =	vst.msk $0xffff, v1  }
.LBB1_3:
0x37: {  	v1 =	vld [tilespmem:s17+$0x0];
	p1 =	sne.s32 s16, $0x1FC;
	[tilespmem:s14+$0x0 ss:$0x81] =	vst.msk $0xffff, v0;
	s14 =	smov.u32 s16;
	s16 =	sadd.s32 $0x4, s16  }
.Ltmp3:
0x38: {  	v0 =	vld [tilespmem:s17+$0xFFFFFFF0];
	(pc) =	sbr.rel @p1 .LBB1_3-.Ltmp3, $4  }
0x39: {  	_ = 	snop  }
0x3a: {  	s14 =	sshra.s32 s14, $0x2  }
0x3b: {  	s14 =	sadd.s32 s14, s15  }
0x3c: {  	s17 =	sadd.s32 $0x20, s17;
	[tilespmem:s14+$0x810 ss:$0x81] =	vst.msk $0xffff, v1  }
.Ltmp4:
0x3d: {  	_ = 	snop;
	(pc) =	sbr.rel .LBB1_4-.Ltmp4, $1  }
0x3e: {  	_ =	sdelay $0x3  }
.LBB1_6:
0x3f: {  	_ =	sfence.sel $0x180000  }
0x40: {  	s2 =	simm.s32 $0x1;
	[bflag:$0x0] =	sbarrier.arrive $0xFFFF  }
0x41: {  	s31 =	simm.s32 $0x2;
	[sflag:s2] =	ssyncpa.u1 $0x1  }
0x42: {  	[sflag:s31] =	ssyncpa.u1 $0x1  }
0x43: {  	p0 =	sne.s32 s0, $0x0;
	_ =	strace $0x9000004D  }
0x44: {  	s0 =	sadd.s32 @!p0 $0x100000, s1;
	[bflag:$0x2] =	sbarrier.arrive $0xFFFF  }
0x45: {  	[sflag:s0] =	ssyncadd.tile.s32 @!p0 $0x1;
	_ =	shalt  }
.Lfunc_end1:
_tile_overlayer_lowered:
.L_overlay_start_2:
0x46: {  	(tag) =	ssettag $0x2  }
0x47: {  	s0 =	rddreg [dreg:$0x0];
	s2 =	stileid.u32  }
0x48: {  	s1 =	rddreg [dreg:$0x1];
	p0 =	sne.s32 s2, $0x0  }
0x49: {  	s3 =	rddreg [dreg:$0x2];
	[bflag:$0x3] =	sbarrier.arrive $0xFFFF;
	s2 =	simm.s32 @!p0 $0x1C01  }
0x4a: {  	[timem:s3], [sflag:s2] =	dma.local @!p0 [hbm:s0], s1  }
0x4b: {  	s0 =	simm.s32 @!p0 $0x1  }
0x4c: {  	_ =	swait.ge @!p0 [sflag:s0], s1  }
0x4d: {  	s1 =	ssub.s32 @!p0 $0x0, s1;
	[sflag:s0] =	ssyncset.done @!p0 $0x0  }
0x4e: {  	[sflag:s0] =	ssyncadd.s32 @!p0 s1  }
0x4f: {  	[bflag:$0x3] =	sbarrier.arrive $0xFFFF  }
0x50: {  	_ =	shalt  }

</sc_bundles>
